<compile_context>
chip_gen: v7x
topology: tpu7x:2x2x1
jax: 0.10.2.dev20260603
libtpu: 0.0.44.dev20260713+nightly
codegen_flags: <defaults>
</compile_context>

<pallas_src>
import functools

import jax
import jax.numpy as jnp
from jax import lax
from jax.experimental import pallas as pl
from jax.experimental.pallas import tpu as pltpu
from jax.experimental.pallas import tpu_sc as plsc

NU = 10000
NG = 10000
NE = 320000
NEP = 327680
NC, NS = 2, 16
NW = NC * NS
EPW = NE // NW
EPWP = NEP // NW
CHK = 2048
NCH = EPWP // CHK
NT = NEP // 128
ROWS, COLS = 125, 80
BE = 2560
NBLK = NE // BE

_f32 = jnp.float32
_i32 = jnp.int32

_sc_mesh = plsc.VectorSubcoreMesh(
    core_axis_name="c", subcore_axis_name="s", num_cores=NC, num_subcores=NS)


def _gather_body(uflat_hbm, gflat_hbm, uidx_hbm, gidx_hbm, et_hbm, x_hbm,
                 utab, gtab, uidx_v, gidx_v, e0_v, e1_v, x_v):
    wid = lax.axis_index("s") * NC + lax.axis_index("c")
    ebase = wid * EPWP
    pltpu.sync_copy(uflat_hbm, utab)
    pltpu.sync_copy(gflat_hbm, gtab)
    pltpu.sync_copy(uidx_hbm.at[pl.ds(ebase, EPWP)], uidx_v)
    pltpu.sync_copy(gidx_hbm.at[pl.ds(ebase, EPWP)], gidx_v)
    pltpu.sync_copy(et_hbm.at[pl.ds(ebase, EPWP)], e0_v)
    pltpu.sync_copy(et_hbm.at[pl.ds(NEP + ebase, EPWP)], e1_v)

    def chunk_body(ci, carry):
        off = ci * CHK

        @plsc.parallel_loop(0, CHK // 16, unroll=2)
        def grp(k):
            iu = uidx_v[pl.ds(off + k * 16, 16)]
            ig = gidx_v[pl.ds(off + k * 16, 16)]
            sbase = (k >> 3) * 1024 + (k & 7) * 16
            for col in range(3):
                vu = plsc.load_gather(utab, [iu * 3 + col])
                x_v[pl.ds(sbase + col * 128, 16)] = vu
                vg = plsc.load_gather(gtab, [ig * 3 + col])
                x_v[pl.ds(sbase + (3 + col) * 128, 16)] = vg
            x_v[pl.ds(sbase + 6 * 128, 16)] = e0_v[pl.ds(off + k * 16, 16)]
            x_v[pl.ds(sbase + 7 * 128, 16)] = e1_v[pl.ds(off + k * 16, 16)]
        pltpu.sync_copy(x_v, x_hbm.at[pl.ds((wid * 80 + ci * 16) * 1024, CHK * 8)])
        return carry

    lax.fori_loop(0, NCH, chunk_body, 0)


_gather_call = functools.partial(
    pl.kernel,
    _gather_body,
    out_type=jax.ShapeDtypeStruct((NEP * 8,), _f32),
    mesh=_sc_mesh,
    compiler_params=pltpu.CompilerParams(needs_layout_passes=False),
    scratch_types=[
        pltpu.VMEM((NU * 3,), _f32),
        pltpu.VMEM((NG * 3,), _f32),
        pltpu.VMEM((EPWP,), _i32),
        pltpu.VMEM((EPWP,), _i32),
        pltpu.VMEM((EPWP,), _f32),
        pltpu.VMEM((EPWP,), _f32),
        pltpu.VMEM((CHK * 8,), _f32),
    ],
)


def _edge_mlp_body(x_ref, w1t_ref, w2t_ref, w3_ref, u4t_ref, wn1t_ref,
                   wn2_ref, out_ref, mx_ref, ln_ref):
    i = pl.program_id(0)
    xcat = jnp.concatenate([x_ref[t] for t in range(BE // 128)], axis=1)
    xb = xcat.astype(jnp.bfloat16)
    h = jnp.dot(w1t_ref[...], xb, preferred_element_type=_f32)
    h = jnp.maximum(h, 0.0).astype(jnp.bfloat16)
    h = jnp.dot(w2t_ref[...], h, preferred_element_type=_f32)
    h = jnp.maximum(h, 0.0)
    logits = jnp.sum(h * w3_ref[...], axis=0, keepdims=True)
    out_ref[pl.ds(i, 1), :] = logits
    cur = jnp.max(logits, keepdims=True)

    @pl.when(i == 0)
    def _():
        hn = jnp.dot(wn1t_ref[...], u4t_ref[...], preferred_element_type=_f32)
        hn = jnp.maximum(hn, 0.0)
        ln = jnp.sum(hn * wn2_ref[...], axis=0, keepdims=True)
        ln_ref[...] = ln
        mx_ref[...] = jnp.maximum(cur, jnp.max(ln, keepdims=True))

    @pl.when(i > 0)
    def _():
        mx_ref[...] = jnp.maximum(mx_ref[...], cur)


def _edge_mlp(xt, w1t, w2t, w3c, u4t, wn1t, wn2c):
    return pl.pallas_call(
        _edge_mlp_body,
        grid=(NBLK,),
        in_specs=[
            pl.BlockSpec((BE // 128, 8, 128), lambda i: (i, 0, 0)),
            pl.BlockSpec((256, 8), lambda i: (0, 0)),
            pl.BlockSpec((256, 256), lambda i: (0, 0)),
            pl.BlockSpec((256, 1), lambda i: (0, 0)),
            pl.BlockSpec((4, NU), lambda i: (0, 0)),
            pl.BlockSpec((128, 4), lambda i: (0, 0)),
            pl.BlockSpec((128, 1), lambda i: (0, 0)),
        ],
        out_specs=[
            pl.BlockSpec((NBLK, BE), lambda i: (0, 0)),
            pl.BlockSpec((1, 1), lambda i: (0, 0)),
            pl.BlockSpec((1, NU), lambda i: (0, 0)),
        ],
        out_shape=[
            jax.ShapeDtypeStruct((NBLK, BE), _f32),
            jax.ShapeDtypeStruct((1, 1), _f32),
            jax.ShapeDtypeStruct((1, NU), _f32),
        ],
    )(xt, w1t, w2t, w3c, u4t, wn1t, wn2c)


def _denom_body(el2_hbm, seg3_hbm, m16_hbm, part_hbm, lv, segv, exv, accv, mv,
                shared):
    c = lax.axis_index("c")
    s = lax.axis_index("s")
    wid = s * NC + c
    pltpu.sync_copy(el2_hbm.at[wid], lv)
    pltpu.sync_copy(seg3_hbm.at[wid], segv)
    pltpu.sync_copy(m16_hbm, mv)
    m = mv[...]

    @plsc.parallel_loop(0, NU // 16, unroll=2)
    def zero(i):
        accv[pl.ds(i * 16, 16)] = jnp.zeros((16,), _f32)

    @pl.when(s == 0)
    def _():
        pltpu.sync_copy(accv, shared)

    plsc.subcore_barrier()

    @plsc.parallel_loop(0, EPW // 16, unroll=2)
    def expo(i):
        sl = pl.ds(i * 16, 16)
        exv[sl] = jnp.exp(lv[sl] - m)

    @plsc.parallel_loop(0, ROWS)
    def srow(i):
        pltpu.sync_copy(exv.at[pl.ds(i * COLS, COLS)], shared.at[segv.at[i]],
                        add=True)

    plsc.subcore_barrier()

    @pl.when(s == 0)
    def _():
        pltpu.sync_copy(shared, accv)
        pltpu.sync_copy(accv, part_hbm.at[c])


_denom_call = functools.partial(
    pl.kernel,
    _denom_body,
    out_type=jax.ShapeDtypeStruct((NC, NU), _f32),
    mesh=_sc_mesh,
    compiler_params=pltpu.CompilerParams(needs_layout_passes=False),
    scratch_types=[
        pltpu.VMEM((EPW,), _f32),
        pltpu.VMEM((ROWS, COLS), _i32),
        pltpu.VMEM((EPW,), _f32),
        pltpu.VMEM((NU,), _f32),
        pltpu.VMEM((16,), _f32),
        pltpu.VMEM_SHARED((NU,), _f32),
    ],
)


def _probs_body(el2_hbm, seg2_hbm, ln_hbm, part_hbm, m16_hbm, pe_hbm, pn_hbm,
                lv, segv, denv, tmpv, lnv, pnv, pev, mv):
    c = lax.axis_index("c")
    s = lax.axis_index("s")
    wid = s * NC + c
    pltpu.sync_copy(part_hbm.at[0], denv)
    pltpu.sync_copy(part_hbm.at[1], tmpv)
    pltpu.sync_copy(ln_hbm, lnv)
    pltpu.sync_copy(m16_hbm, mv)
    m = mv[...]

    @plsc.parallel_loop(0, NU // 16, unroll=2)
    def dloop(i):
        sl = pl.ds(i * 16, 16)
        en = jnp.exp(lnv[sl] - m)
        d = denv[sl] + tmpv[sl] + en
        denv[sl] = d
        pnv[sl] = en / d

    @pl.when(wid == 0)
    def _():
        pltpu.sync_copy(pnv, pn_hbm)

    pltpu.sync_copy(el2_hbm.at[wid], lv)
    pltpu.sync_copy(seg2_hbm.at[wid], segv)

    @plsc.parallel_loop(0, EPW // 16, unroll=2)
    def ploop(i):
        sl = pl.ds(i * 16, 16)
        l = lv[sl]
        sg = segv[sl]
        d = plsc.load_gather(denv, [sg])
        pev[sl] = jnp.exp(l - m) / d
    pltpu.sync_copy(pev, pe_hbm.at[wid])


_probs_call = functools.partial(
    pl.kernel,
    _probs_body,
    out_type=[
        jax.ShapeDtypeStruct((NW, EPW), _f32),
        jax.ShapeDtypeStruct((NU,), _f32),
    ],
    mesh=_sc_mesh,
    compiler_params=pltpu.CompilerParams(needs_layout_passes=False),
    scratch_types=[
        pltpu.VMEM((EPW,), _f32),
        pltpu.VMEM((EPW,), _i32),
        pltpu.VMEM((NU,), _f32),
        pltpu.VMEM((NU,), _f32),
        pltpu.VMEM((NU,), _f32),
        pltpu.VMEM((NU,), _f32),
        pltpu.VMEM((EPW,), _f32),
        pltpu.VMEM((16,), _f32),
    ],
)


def kernel(u_feat, g_feat, e_feat, u_idx, g_idx, W1, b1, W2, b2, W3, b3,
           Wn1, bn1, Wn2, bn2):
    uflat = u_feat.reshape(NU * 3)
    gflat = g_feat.reshape(NG * 3)

    uidx_p = jnp.pad(u_idx, (0, NEP - NE))
    gidx_p = jnp.pad(g_idx, (0, NEP - NE))
    etp = jnp.pad(e_feat.T, ((0, 0), (0, NEP - NE))).reshape(2 * NEP)
    xflat = _gather_call()(uflat, gflat, uidx_p, gidx_p, etp)
    xt = xflat.reshape(NT, 8, 128)

    w1t = W1.T.astype(jnp.bfloat16)
    w2t = W2.T.astype(jnp.bfloat16)
    u4t = jnp.pad(u_feat.T, ((0, 1), (0, 0)))
    wn1t = jnp.pad(Wn1.T, ((0, 0), (0, 1)))
    el, me, ln = _edge_mlp(xt, w1t, w2t, W3, u4t, wn1t, Wn2)

    m16 = jnp.full((16,), me[0, 0], _f32)
    el2 = el.reshape(NW, EPW)
    seg3 = u_idx.reshape(NW, ROWS, COLS)
    seg2 = u_idx.reshape(NW, EPW)
    lnf = ln.reshape(NU)

    partials = _denom_call()(el2, seg3, m16)
    pe, pn = _probs_call()(el2, seg2, lnf, partials, m16)

    return jnp.concatenate([pe.reshape(NE), pn])

# --- scband reference (transcript-rebuilt; emitter-appended) ---
"""Pipeline reference for scband-edge-net-26697516712298 (READ-ONLY COPY).

The authoritative reference and input builder live on the scoring server;
editing this copy changes nothing except your own understanding.
"""

import jax, jax.numpy as jnp
import numpy as np

N_U, N_G, E = 10000, 10000, 320000
DU, DG, DE, DH = 3, 3, 2, 256
DH2 = DH // 2


def setup_inputs(seed: int = 0) -> dict:
    key = jax.random.key(seed)
    ks = jax.random.split(key, 16)
    inp = {}
    inp['u_feat'] = jax.random.normal(ks[0], (N_U, DU), dtype=jnp.float32)
    inp['g_feat'] = jax.random.normal(ks[1], (N_G, DG), dtype=jnp.float32)
    inp['e_feat'] = jax.random.normal(ks[2], (E, DE), dtype=jnp.float32)
    inp['u_idx'] = jax.random.randint(ks[3], (E,), 0, N_U, dtype=jnp.int32)
    inp['g_idx'] = jax.random.randint(ks[4], (E,), 0, N_G, dtype=jnp.int32)
    d_in = DU + DG + DE
    inp['W1'] = jax.random.normal(ks[5], (d_in, DH), dtype=jnp.float32) * (1.0 / np.sqrt(d_in))
    inp['b1'] = jnp.zeros((DH,), dtype=jnp.float32)
    inp['W2'] = jax.random.normal(ks[6], (DH, DH), dtype=jnp.float32) * (1.0 / np.sqrt(DH))
    inp['b2'] = jnp.zeros((DH,), dtype=jnp.float32)
    inp['W3'] = jax.random.normal(ks[7], (DH, 1), dtype=jnp.float32) * (1.0 / np.sqrt(DH))
    inp['b3'] = jnp.zeros((1,), dtype=jnp.float32)
    inp['Wn1'] = jax.random.normal(ks[8], (DU, DH2), dtype=jnp.float32) * (1.0 / np.sqrt(DU))
    inp['bn1'] = jnp.zeros((DH2,), dtype=jnp.float32)
    inp['Wn2'] = jax.random.normal(ks[9], (DH2, 1), dtype=jnp.float32) * (1.0 / np.sqrt(DH2))
    inp['bn2'] = jnp.zeros((1,), dtype=jnp.float32)
    return inp


def reference(u_feat, g_feat, e_feat, u_idx, g_idx, W1, b1, W2, b2, W3, b3, Wn1, bn1, Wn2, bn2):
    # edge MLP on concatenated [u_feat[src], g_feat[dst], e_feat]
    x = jnp.concatenate([jnp.take(u_feat, u_idx, axis=0), jnp.take(g_feat, g_idx, axis=0), e_feat], axis=-1)
    h = jax.nn.relu(x @ W1 + b1)
    h = jax.nn.relu(h @ W2 + b2)
    edge_logits = (h @ W3 + b3)[:, 0]
    # NO_TX logit per UAV
    hn = jax.nn.relu(u_feat @ Wn1 + bn1)
    logit_no = (hn @ Wn2 + bn2)[:, 0]
    n_u = u_feat.shape[0]
    # per-UAV softmax over (its edges, NO_TX) implemented as segment softmax
    seg = jnp.concatenate([u_idx, jnp.arange(n_u, dtype=u_idx.dtype)])
    logits_all = jnp.concatenate([edge_logits, logit_no])
    m = jax.ops.segment_max(logits_all, seg, num_segments=n_u)
    m = jax.lax.stop_gradient(m)
    ex = jnp.exp(logits_all - jnp.take(m, seg, axis=0))
    denom = jax.ops.segment_sum(ex, seg, num_segments=n_u)
    probs_all = ex / jnp.take(denom, seg, axis=0)
    # first E entries: edge probs; last N_U entries: NO_TX probs
    return probs_all

if __name__ == "__main__":
    import jax
    _d = setup_inputs()
    print(jax.jit(kernel)(*tuple(_d.values())))

</pallas_src>

<mosaic_0001>
#map = affine_map<(d0, d1) -> (0)>
module attributes {stable_mosaic.version = 14 : i64} {
  func.func @_gather_body(%arg0: i32, %arg1: i32, %arg2: memref<30000xf32, #tpu.memory_space<hbm>>, %arg3: memref<30000xf32, #tpu.memory_space<hbm>>, %arg4: memref<327680xi32, #tpu.memory_space<hbm>>, %arg5: memref<327680xi32, #tpu.memory_space<hbm>>, %arg6: memref<655360xf32, #tpu.memory_space<hbm>>, %arg7: memref<2621440xf32, #tpu.memory_space<hbm>>, %arg8: memref<30000xf32, #tpu.memory_space<vmem>>, %arg9: memref<30000xf32, #tpu.memory_space<vmem>>, %arg10: memref<10240xi32, #tpu.memory_space<vmem>>, %arg11: memref<10240xi32, #tpu.memory_space<vmem>>, %arg12: memref<10240xf32, #tpu.memory_space<vmem>>, %arg13: memref<10240xf32, #tpu.memory_space<vmem>>, %arg14: memref<16384xf32, #tpu.memory_space<vmem>>) attributes {dimension_semantics = [#tpu.dimension_semantics<core_parallel>, #tpu.dimension_semantics<subcore_parallel>], iteration_bounds = array<i64: 2, 16>, scalar_prefetch = 0 : i64, scratch_operands = 7 : i64, tpu.core_type = #tpu.core_type<sc_vector_subcore>, window_params = [{transform_indices = #map}, {transform_indices = #map}, {transform_indices = #map}, {transform_indices = #map}, {transform_indices = #map}, {transform_indices = #map}]} {
    %mul3A = arith.constant 2 : i32
    %mul3A_0 = arith.muli %arg1, %mul3A : i32
    %add3A = arith.addi %mul3A_0, %arg0 : i32
    %mul3A_1 = arith.constant 10240 : i32
    %mul3A_2 = arith.muli %add3A, %mul3A_1 : i32
    "tpu.region"() ({
      %run_scoped3A = tpu.sem_alloc : memref<!tpu.dma_semaphore, #tpu.memory_space<semaphore_mem>>
      tpu.enqueue_dma source(%arg2 : memref<30000xf32, #tpu.memory_space<hbm>>) target(%arg8 : memref<30000xf32, #tpu.memory_space<vmem>>) target_semaphore(%run_scoped3A : memref<!tpu.dma_semaphore, #tpu.memory_space<semaphore_mem>>)
      tpu.wait_dma2 semaphore(%run_scoped3A : memref<!tpu.dma_semaphore, #tpu.memory_space<semaphore_mem>>) src(%arg2 : memref<30000xf32, #tpu.memory_space<hbm>>) dst(%arg8 : memref<30000xf32, #tpu.memory_space<vmem>>)
      tpu.yield
    }) : () -> ()
    "tpu.region"() ({
      %run_scoped3A = tpu.sem_alloc : memref<!tpu.dma_semaphore, #tpu.memory_space<semaphore_mem>>
      tpu.enqueue_dma source(%arg3 : memref<30000xf32, #tpu.memory_space<hbm>>) target(%arg9 : memref<30000xf32, #tpu.memory_space<vmem>>) target_semaphore(%run_scoped3A : memref<!tpu.dma_semaphore, #tpu.memory_space<semaphore_mem>>)
      tpu.wait_dma2 semaphore(%run_scoped3A : memref<!tpu.dma_semaphore, #tpu.memory_space<semaphore_mem>>) src(%arg3 : memref<30000xf32, #tpu.memory_space<hbm>>) dst(%arg9 : memref<30000xf32, #tpu.memory_space<vmem>>)
      tpu.yield
    }) : () -> ()
    "tpu.region"() ({
      %run_scoped3A = tpu.sem_alloc : memref<!tpu.dma_semaphore, #tpu.memory_space<semaphore_mem>>
      %dma_start3A = tpu.memref_slice %arg4[%mul3A_2] : memref<327680xi32, #tpu.memory_space<hbm>> -> memref<10240xi32, #tpu.memory_space<hbm>>
      %dma_start3A_10 = tpu.memref_slice %arg4[%mul3A_2] : memref<327680xi32, #tpu.memory_space<hbm>> -> memref<10240xi32, #tpu.memory_space<hbm>>
      tpu.enqueue_dma source(%dma_start3A_10 : memref<10240xi32, #tpu.memory_space<hbm>>) target(%arg10 : memref<10240xi32, #tpu.memory_space<vmem>>) target_semaphore(%run_scoped3A : memref<!tpu.dma_semaphore, #tpu.memory_space<semaphore_mem>>)
      %dma_wait3A = tpu.memref_slice %arg4[%mul3A_2] : memref<327680xi32, #tpu.memory_space<hbm>> -> memref<10240xi32, #tpu.memory_space<hbm>>
      %dma_wait3A_11 = tpu.memref_slice %arg4[%mul3A_2] : memref<327680xi32, #tpu.memory_space<hbm>> -> memref<10240xi32, #tpu.memory_space<hbm>>
      tpu.wait_dma2 semaphore(%run_scoped3A : memref<!tpu.dma_semaphore, #tpu.memory_space<semaphore_mem>>) src(%dma_wait3A_11 : memref<10240xi32, #tpu.memory_space<hbm>>) dst(%arg10 : memref<10240xi32, #tpu.memory_space<vmem>>)
      tpu.yield
    }) : () -> ()
    "tpu.region"() ({
      %run_scoped3A = tpu.sem_alloc : memref<!tpu.dma_semaphore, #tpu.memory_space<semaphore_mem>>
      %dma_start3A = tpu.memref_slice %arg5[%mul3A_2] : memref<327680xi32, #tpu.memory_space<hbm>> -> memref<10240xi32, #tpu.memory_space<hbm>>
      %dma_start3A_10 = tpu.memref_slice %arg5[%mul3A_2] : memref<327680xi32, #tpu.memory_space<hbm>> -> memref<10240xi32, #tpu.memory_space<hbm>>
      tpu.enqueue_dma source(%dma_start3A_10 : memref<10240xi32, #tpu.memory_space<hbm>>) target(%arg11 : memref<10240xi32, #tpu.memory_space<vmem>>) target_semaphore(%run_scoped3A : memref<!tpu.dma_semaphore, #tpu.memory_space<semaphore_mem>>)
      %dma_wait3A = tpu.memref_slice %arg5[%mul3A_2] : memref<327680xi32, #tpu.memory_space<hbm>> -> memref<10240xi32, #tpu.memory_space<hbm>>
      %dma_wait3A_11 = tpu.memref_slice %arg5[%mul3A_2] : memref<327680xi32, #tpu.memory_space<hbm>> -> memref<10240xi32, #tpu.memory_space<hbm>>
      tpu.wait_dma2 semaphore(%run_scoped3A : memref<!tpu.dma_semaphore, #tpu.memory_space<semaphore_mem>>) src(%dma_wait3A_11 : memref<10240xi32, #tpu.memory_space<hbm>>) dst(%arg11 : memref<10240xi32, #tpu.memory_space<vmem>>)
      tpu.yield
    }) : () -> ()
    "tpu.region"() ({
      %run_scoped3A = tpu.sem_alloc : memref<!tpu.dma_semaphore, #tpu.memory_space<semaphore_mem>>
      %dma_start3A = tpu.memref_slice %arg6[%mul3A_2] : memref<655360xf32, #tpu.memory_space<hbm>> -> memref<10240xf32, #tpu.memory_space<hbm>>
      %dma_start3A_10 = tpu.memref_slice %arg6[%mul3A_2] : memref<655360xf32, #tpu.memory_space<hbm>> -> memref<10240xf32, #tpu.memory_space<hbm>>
      tpu.enqueue_dma source(%dma_start3A_10 : memref<10240xf32, #tpu.memory_space<hbm>>) target(%arg12 : memref<10240xf32, #tpu.memory_space<vmem>>) target_semaphore(%run_scoped3A : memref<!tpu.dma_semaphore, #tpu.memory_space<semaphore_mem>>)
      %dma_wait3A = tpu.memref_slice %arg6[%mul3A_2] : memref<655360xf32, #tpu.memory_space<hbm>> -> memref<10240xf32, #tpu.memory_space<hbm>>
      %dma_wait3A_11 = tpu.memref_slice %arg6[%mul3A_2] : memref<655360xf32, #tpu.memory_space<hbm>> -> memref<10240xf32, #tpu.memory_space<hbm>>
      tpu.wait_dma2 semaphore(%run_scoped3A : memref<!tpu.dma_semaphore, #tpu.memory_space<semaphore_mem>>) src(%dma_wait3A_11 : memref<10240xf32, #tpu.memory_space<hbm>>) dst(%arg12 : memref<10240xf32, #tpu.memory_space<vmem>>)
      tpu.yield
    }) : () -> ()
    %add3A_3 = arith.constant 327680 : i32
    %add3A_4 = arith.addi %add3A_3, %mul3A_2 : i32
    "tpu.region"() ({
      %run_scoped3A = tpu.sem_alloc : memref<!tpu.dma_semaphore, #tpu.memory_space<semaphore_mem>>
      %dma_start3A = tpu.memref_slice %arg6[%add3A_4] : memref<655360xf32, #tpu.memory_space<hbm>> -> memref<10240xf32, #tpu.memory_space<hbm>>
      %dma_start3A_10 = tpu.memref_slice %arg6[%add3A_4] : memref<655360xf32, #tpu.memory_space<hbm>> -> memref<10240xf32, #tpu.memory_space<hbm>>
      tpu.enqueue_dma source(%dma_start3A_10 : memref<10240xf32, #tpu.memory_space<hbm>>) target(%arg13 : memref<10240xf32, #tpu.memory_space<vmem>>) target_semaphore(%run_scoped3A : memref<!tpu.dma_semaphore, #tpu.memory_space<semaphore_mem>>)
      %dma_wait3A = tpu.memref_slice %arg6[%add3A_4] : memref<655360xf32, #tpu.memory_space<hbm>> -> memref<10240xf32, #tpu.memory_space<hbm>>
      %dma_wait3A_11 = tpu.memref_slice %arg6[%add3A_4] : memref<655360xf32, #tpu.memory_space<hbm>> -> memref<10240xf32, #tpu.memory_space<hbm>>
      tpu.wait_dma2 semaphore(%run_scoped3A : memref<!tpu.dma_semaphore, #tpu.memory_space<semaphore_mem>>) src(%dma_wait3A_11 : memref<10240xf32, #tpu.memory_space<hbm>>) dst(%arg13 : memref<10240xf32, #tpu.memory_space<vmem>>)
      tpu.yield
    }) : () -> ()
    %scan3A = arith.constant 0 : i32
    %scan3A_5 = arith.constant 0 : i32
    %scan3A_6 = arith.constant 5 : i32
    %scan3A_7 = arith.addi %scan3A_5, %scan3A_6 : i32
    %scan3A_8 = arith.constant 1 : i32
    scf.for %scan3A_10 = %scan3A_5 to %scan3A_7 step %scan3A_8  : i32 {
      %mul3A_11 = arith.constant 2048 : i32
      %mul3A_12 = arith.muli %scan3A_10, %mul3A_11 : i32
      %parallel_loop3A = arith.constant 0 : i32
      %parallel_loop3A_13 = arith.constant 128 : i32
      %parallel_loop3A_14 = arith.constant 1 : i32
      scf.for %parallel_loop3A_22 = %parallel_loop3A to %parallel_loop3A_13 step %parallel_loop3A_14  : i32 {
        %parallel_loop3A_23 = arith.constant 16 : i32
        %parallel_loop3A_24 = arith.muli %parallel_loop3A_22, %parallel_loop3A_23 : i32
        %parallel_loop3A_25 = arith.addi %mul3A_12, %parallel_loop3A_24 : i32
        %parallel_loop3A_26 = arith.index_cast %parallel_loop3A_25 : i32 to index
        %parallel_loop3A_27 = tpu.vector_load %arg10[%parallel_loop3A_26] {strides = array<i32>} : memref<10240xi32, #tpu.memory_space<vmem>>, vector<16xi32>,
        %parallel_loop3A_28 = arith.constant 16 : i32
        %parallel_loop3A_29 = arith.muli %parallel_loop3A_22, %parallel_loop3A_28 : i32
        %parallel_loop3A_30 = arith.addi %mul3A_12, %parallel_loop3A_29 : i32
        %parallel_loop3A_31 = arith.index_cast %parallel_loop3A_30 : i32 to index
        %parallel_loop3A_32 = tpu.vector_load %arg11[%parallel_loop3A_31] {strides = array<i32>} : memref<10240xi32, #tpu.memory_space<vmem>>, vector<16xi32>,
        %parallel_loop3A_33 = arith.constant 3 : i32
        %parallel_loop3A_34 = arith.shrsi %parallel_loop3A_22, %parallel_loop3A_33 : i32
        %parallel_loop3A_35 = arith.constant 1024 : i32
        %parallel_loop3A_36 = arith.muli %parallel_loop3A_34, %parallel_loop3A_35 : i32
        %parallel_loop3A_37 = arith.constant 7 : i32
        %parallel_loop3A_38 = arith.andi %parallel_loop3A_22, %parallel_loop3A_37 : i32
        %parallel_loop3A_39 = arith.constant 16 : i32
        %parallel_loop3A_40 = arith.muli %parallel_loop3A_38, %parallel_loop3A_39 : i32
        %parallel_loop3A_41 = arith.addi %parallel_loop3A_36, %parallel_loop3A_40 : i32
        %parallel_loop3A_42 = arith.constant 3 : i32
        %parallel_loop3A_43 = vector.broadcast %parallel_loop3A_42 : i32 to vector<16xi32>
        %parallel_loop3A_44 = arith.muli %parallel_loop3A_27, %parallel_loop3A_43 : vector<16xi32>
        %parallel_loop3A_45 = arith.constant 0 : i32
        %parallel_loop3A_46 = vector.broadcast %parallel_loop3A_45 : i32 to vector<16xi32>
        %parallel_loop3A_47 = arith.addi %parallel_loop3A_44, %parallel_loop3A_46 : vector<16xi32>
        %parallel_loop3A_48 = tpu.vector_load_idx %arg8[%parallel_loop3A_47] : memref<30000xf32, #tpu.memory_space<vmem>>[vector<16xi32>], vector<16xf32>,
        %parallel_loop3A_49 = arith.constant 0 : i32
        %parallel_loop3A_50 = arith.addi %parallel_loop3A_41, %parallel_loop3A_49 : i32
        %parallel_loop3A_51 = arith.index_cast %parallel_loop3A_50 : i32 to index
        %parallel_loop3A_52 = tpu.vector_load %arg14[%parallel_loop3A_51] {strides = array<i32>} : memref<16384xf32, #tpu.memory_space<vmem>>, vector<16xf32>,
        tpu.vector_store %arg14[%parallel_loop3A_51], %parallel_loop3A_48 {strides = array<i32>} : memref<16384xf32, #tpu.memory_space<vmem>>, vector<16xf32>,
        %parallel_loop3A_53 = arith.constant 3 : i32
        %parallel_loop3A_54 = vector.broadcast %parallel_loop3A_53 : i32 to vector<16xi32>
        %parallel_loop3A_55 = arith.muli %parallel_loop3A_32, %parallel_loop3A_54 : vector<16xi32>
        %parallel_loop3A_56 = arith.constant 0 : i32
        %parallel_loop3A_57 = vector.broadcast %parallel_loop3A_56 : i32 to vector<16xi32>
        %parallel_loop3A_58 = arith.addi %parallel_loop3A_55, %parallel_loop3A_57 : vector<16xi32>
        %parallel_loop3A_59 = tpu.vector_load_idx %arg9[%parallel_loop3A_58] : memref<30000xf32, #tpu.memory_space<vmem>>[vector<16xi32>], vector<16xf32>,
        %parallel_loop3A_60 = arith.constant 384 : i32
        %parallel_loop3A_61 = arith.addi %parallel_loop3A_41, %parallel_loop3A_60 : i32
        %parallel_loop3A_62 = arith.index_cast %parallel_loop3A_61 : i32 to index
        %parallel_loop3A_63 = tpu.vector_load %arg14[%parallel_loop3A_62] {strides = array<i32>} : memref<16384xf32, #tpu.memory_space<vmem>>, vector<16xf32>,
        tpu.vector_store %arg14[%parallel_loop3A_62], %parallel_loop3A_59 {strides = array<i32>} : memref<16384xf32, #tpu.memory_space<vmem>>, vector<16xf32>,
        %parallel_loop3A_64 = arith.constant 3 : i32
        %parallel_loop3A_65 = vector.broadcast %parallel_loop3A_64 : i32 to vector<16xi32>
        %parallel_loop3A_66 = arith.muli %parallel_loop3A_27, %parallel_loop3A_65 : vector<16xi32>
        %parallel_loop3A_67 = arith.constant 1 : i32
        %parallel_loop3A_68 = vector.broadcast %parallel_loop3A_67 : i32 to vector<16xi32>
        %parallel_loop3A_69 = arith.addi %parallel_loop3A_66, %parallel_loop3A_68 : vector<16xi32>
        %parallel_loop3A_70 = tpu.vector_load_idx %arg8[%parallel_loop3A_69] : memref<30000xf32, #tpu.memory_space<vmem>>[vector<16xi32>], vector<16xf32>,
        %parallel_loop3A_71 = arith.constant 128 : i32
        %parallel_loop3A_72 = arith.addi %parallel_loop3A_41, %parallel_loop3A_71 : i32
        %parallel_loop3A_73 = arith.index_cast %parallel_loop3A_72 : i32 to index
        %parallel_loop3A_74 = tpu.vector_load %arg14[%parallel_loop3A_73] {strides = array<i32>} : memref<16384xf32, #tpu.memory_space<vmem>>, vector<16xf32>,
        tpu.vector_store %arg14[%parallel_loop3A_73], %parallel_loop3A_70 {strides = array<i32>} : memref<16384xf32, #tpu.memory_space<vmem>>, vector<16xf32>,
        %parallel_loop3A_75 = arith.constant 3 : i32
        %parallel_loop3A_76 = vector.broadcast %parallel_loop3A_75 : i32 to vector<16xi32>
        %parallel_loop3A_77 = arith.muli %parallel_loop3A_32, %parallel_loop3A_76 : vector<16xi32>
        %parallel_loop3A_78 = arith.constant 1 : i32
        %parallel_loop3A_79 = vector.broadcast %parallel_loop3A_78 : i32 to vector<16xi32>
        %parallel_loop3A_80 = arith.addi %parallel_loop3A_77, %parallel_loop3A_79 : vector<16xi32>
        %parallel_loop3A_81 = tpu.vector_load_idx %arg9[%parallel_loop3A_80] : memref<30000xf32, #tpu.memory_space<vmem>>[vector<16xi32>], vector<16xf32>,
        %parallel_loop3A_82 = arith.constant 512 : i32
        %parallel_loop3A_83 = arith.addi %parallel_loop3A_41, %parallel_loop3A_82 : i32
        %parallel_loop3A_84 = arith.index_cast %parallel_loop3A_83 : i32 to index
        %parallel_loop3A_85 = tpu.vector_load %arg14[%parallel_loop3A_84] {strides = array<i32>} : memref<16384xf32, #tpu.memory_space<vmem>>, vector<16xf32>,
        tpu.vector_store %arg14[%parallel_loop3A_84], %parallel_loop3A_81 {strides = array<i32>} : memref<16384xf32, #tpu.memory_space<vmem>>, vector<16xf32>,
        %parallel_loop3A_86 = arith.constant 3 : i32
        %parallel_loop3A_87 = vector.broadcast %parallel_loop3A_86 : i32 to vector<16xi32>
        %parallel_loop3A_88 = arith.muli %parallel_loop3A_27, %parallel_loop3A_87 : vector<16xi32>
        %parallel_loop3A_89 = arith.constant 2 : i32
        %parallel_loop3A_90 = vector.broadcast %parallel_loop3A_89 : i32 to vector<16xi32>
        %parallel_loop3A_91 = arith.addi %parallel_loop3A_88, %parallel_loop3A_90 : vector<16xi32>
        %parallel_loop3A_92 = tpu.vector_load_idx %arg8[%parallel_loop3A_91] : memref<30000xf32, #tpu.memory_space<vmem>>[vector<16xi32>], vector<16xf32>,
        %parallel_loop3A_93 = arith.constant 256 : i32
        %parallel_loop3A_94 = arith.addi %parallel_loop3A_41, %parallel_loop3A_93 : i32
        %parallel_loop3A_95 = arith.index_cast %parallel_loop3A_94 : i32 to index
        %parallel_loop3A_96 = tpu.vector_load %arg14[%parallel_loop3A_95] {strides = array<i32>} : memref<16384xf32, #tpu.memory_space<vmem>>, vector<16xf32>,
        tpu.vector_store %arg14[%parallel_loop3A_95], %parallel_loop3A_92 {strides = array<i32>} : memref<16384xf32, #tpu.memory_space<vmem>>, vector<16xf32>,
        %parallel_loop3A_97 = arith.constant 3 : i32
        %parallel_loop3A_98 = vector.broadcast %parallel_loop3A_97 : i32 to vector<16xi32>
        %parallel_loop3A_99 = arith.muli %parallel_loop3A_32, %parallel_loop3A_98 : vector<16xi32>
        %parallel_loop3A_100 = arith.constant 2 : i32
        %parallel_loop3A_101 = vector.broadcast %parallel_loop3A_100 : i32 to vector<16xi32>
        %parallel_loop3A_102 = arith.addi %parallel_loop3A_99, %parallel_loop3A_101 : vector<16xi32>
        %parallel_loop3A_103 = tpu.vector_load_idx %arg9[%parallel_loop3A_102] : memref<30000xf32, #tpu.memory_space<vmem>>[vector<16xi32>], vector<16xf32>,
        %parallel_loop3A_104 = arith.constant 640 : i32
        %parallel_loop3A_105 = arith.addi %parallel_loop3A_41, %parallel_loop3A_104 : i32
        %parallel_loop3A_106 = arith.index_cast %parallel_loop3A_105 : i32 to index
        %parallel_loop3A_107 = tpu.vector_load %arg14[%parallel_loop3A_106] {strides = array<i32>} : memref<16384xf32, #tpu.memory_space<vmem>>, vector<16xf32>,
        tpu.vector_store %arg14[%parallel_loop3A_106], %parallel_loop3A_103 {strides = array<i32>} : memref<16384xf32, #tpu.memory_space<vmem>>, vector<16xf32>,
        %parallel_loop3A_108 = arith.constant 16 : i32
        %parallel_loop3A_109 = arith.muli %parallel_loop3A_22, %parallel_loop3A_108 : i32
        %parallel_loop3A_110 = arith.addi %mul3A_12, %parallel_loop3A_109 : i32
        %parallel_loop3A_111 = arith.index_cast %parallel_loop3A_110 : i32 to index
        %parallel_loop3A_112 = tpu.vector_load %arg12[%parallel_loop3A_111] {strides = array<i32>} : memref<10240xf32, #tpu.memory_space<vmem>>, vector<16xf32>,
        %parallel_loop3A_113 = arith.constant 768 : i32
        %parallel_loop3A_114 = arith.addi %parallel_loop3A_41, %parallel_loop3A_113 : i32
        %parallel_loop3A_115 = arith.index_cast %parallel_loop3A_114 : i32 to index
        %parallel_loop3A_116 = tpu.vector_load %arg14[%parallel_loop3A_115] {strides = array<i32>} : memref<16384xf32, #tpu.memory_space<vmem>>, vector<16xf32>,
        tpu.vector_store %arg14[%parallel_loop3A_115], %parallel_loop3A_112 {strides = array<i32>} : memref<16384xf32, #tpu.memory_space<vmem>>, vector<16xf32>,
        %parallel_loop3A_117 = arith.constant 16 : i32
        %parallel_loop3A_118 = arith.muli %parallel_loop3A_22, %parallel_loop3A_117 : i32
        %parallel_loop3A_119 = arith.addi %mul3A_12, %parallel_loop3A_118 : i32
        %parallel_loop3A_120 = arith.index_cast %parallel_loop3A_119 : i32 to index
        %parallel_loop3A_121 = tpu.vector_load %arg13[%parallel_loop3A_120] {strides = array<i32>} : memref<10240xf32, #tpu.memory_space<vmem>>, vector<16xf32>,
        %parallel_loop3A_122 = arith.constant 896 : i32
        %parallel_loop3A_123 = arith.addi %parallel_loop3A_41, %parallel_loop3A_122 : i32
        %parallel_loop3A_124 = arith.index_cast %parallel_loop3A_123 : i32 to index
        %parallel_loop3A_125 = tpu.vector_load %arg14[%parallel_loop3A_124] {strides = array<i32>} : memref<16384xf32, #tpu.memory_space<vmem>>, vector<16xf32>,
        tpu.vector_store %arg14[%parallel_loop3A_124], %parallel_loop3A_121 {strides = array<i32>} : memref<16384xf32, #tpu.memory_space<vmem>>, vector<16xf32>,
      } {sc.loop_unroll_factor = 2 : i64, sc.parallel_access}
      %mul3A_15 = arith.constant 80 : i32
      %mul3A_16 = arith.muli %add3A, %mul3A_15 : i32
      %mul3A_17 = arith.constant 16 : i32
      %mul3A_18 = arith.muli %scan3A_10, %mul3A_17 : i32
      %add3A_19 = arith.addi %mul3A_16, %mul3A_18 : i32
      %mul3A_20 = arith.constant 1024 : i32
      %mul3A_21 = arith.muli %add3A_19, %mul3A_20 : i32
      "tpu.region"() ({
        %run_scoped3A = tpu.sem_alloc : memref<!tpu.dma_semaphore, #tpu.memory_space<semaphore_mem>>
        %dma_start3A = tpu.memref_slice %arg7[%mul3A_21] : memref<2621440xf32, #tpu.memory_space<hbm>> -> memref<16384xf32, #tpu.memory_space<hbm>>
        %dma_start3A_22 = tpu.memref_slice %arg7[%mul3A_21] : memref<2621440xf32, #tpu.memory_space<hbm>> -> memref<16384xf32, #tpu.memory_space<hbm>>
        tpu.enqueue_dma source(%arg14 : memref<16384xf32, #tpu.memory_space<vmem>>) target(%dma_start3A_22 : memref<16384xf32, #tpu.memory_space<hbm>>) target_semaphore(%run_scoped3A : memref<!tpu.dma_semaphore, #tpu.memory_space<semaphore_mem>>)
        %dma_wait3A = tpu.memref_slice %arg7[%mul3A_21] : memref<2621440xf32, #tpu.memory_space<hbm>> -> memref<16384xf32, #tpu.memory_space<hbm>>
        %dma_wait3A_23 = tpu.memref_slice %arg7[%mul3A_21] : memref<2621440xf32, #tpu.memory_space<hbm>> -> memref<16384xf32, #tpu.memory_space<hbm>>
        tpu.wait_dma2 semaphore(%run_scoped3A : memref<!tpu.dma_semaphore, #tpu.memory_space<semaphore_mem>>) src(%arg14 : memref<16384xf32, #tpu.memory_space<vmem>>) dst(%dma_wait3A_23 : memref<16384xf32, #tpu.memory_space<hbm>>)
        tpu.yield
      }) : () -> ()
    }
    %scan3A_9 = arith.constant 5 : i32
    return
  }
}

#map = affine_map<(d0, d1) -> (0, 0)>
#map1 = affine_map<(d0, d1) -> (0)>
module attributes {stable_mosaic.version = 14 : i64} {
  func.func @_probs_body(%arg0: i32, %arg1: i32, %arg2: memref<32x10000xf32, #tpu.memory_space<hbm>>, %arg3: memref<32x10000xi32, #tpu.memory_space<hbm>>, %arg4: memref<10000xf32, #tpu.memory_space<hbm>>, %arg5: memref<2x10000xf32, #tpu.memory_space<hbm>>, %arg6: memref<16xf32, #tpu.memory_space<hbm>>, %arg7: memref<32x10000xf32, #tpu.memory_space<hbm>>, %arg8: memref<10000xf32, #tpu.memory_space<hbm>>, %arg9: memref<10000xf32, #tpu.memory_space<vmem>>, %arg10: memref<10000xi32, #tpu.memory_space<vmem>>, %arg11: memref<10000xf32, #tpu.memory_space<vmem>>, %arg12: memref<10000xf32, #tpu.memory_space<vmem>>, %arg13: memref<10000xf32, #tpu.memory_space<vmem>>, %arg14: memref<10000xf32, #tpu.memory_space<vmem>>, %arg15: memref<10000xf32, #tpu.memory_space<vmem>>, %arg16: memref<16xf32, #tpu.memory_space<vmem>>) attributes {dimension_semantics = [#tpu.dimension_semantics<core_parallel>, #tpu.dimension_semantics<subcore_parallel>], iteration_bounds = array<i64: 2, 16>, scalar_prefetch = 0 : i64, scratch_operands = 8 : i64, tpu.core_type = #tpu.core_type<sc_vector_subcore>, window_params = [{transform_indices = #map}, {transform_indices = #map}, {transform_indices = #map1}, {transform_indices = #map}, {transform_indices = #map1}, {transform_indices = #map}, {transform_indices = #map1}]} {
    %mul3A = arith.constant 2 : i32
    %mul3A_0 = arith.muli %arg1, %mul3A : i32
    %add3A = arith.addi %mul3A_0, %arg0 : i32
    %run_scoped3A = arith.constant 0 : i32
    "tpu.region"() ({
      %run_scoped3A_10 = tpu.sem_alloc : memref<!tpu.dma_semaphore, #tpu.memory_space<semaphore_mem>>
      %dma_start3A = arith.constant 0 : i32
      %dma_start3A_11 = tpu.memref_slice %arg5[%run_scoped3A, %dma_start3A] : memref<2x10000xf32, #tpu.memory_space<hbm>> -> memref<1x10000xf32, #tpu.memory_space<hbm>>
      %dma_start3A_12 = tpu.memref_squeeze %dma_start3A_11 : memref<1x10000xf32, #tpu.memory_space<hbm>> -> memref<10000xf32, #tpu.memory_space<hbm>>
      %dma_start3A_13 = arith.constant 0 : i32
      %dma_start3A_14 = tpu.memref_slice %arg5[%run_scoped3A, %dma_start3A_13] : memref<2x10000xf32, #tpu.memory_space<hbm>> -> memref<1x10000xf32, #tpu.memory_space<hbm>>
      %dma_start3A_15 = tpu.memref_squeeze %dma_start3A_14 : memref<1x10000xf32, #tpu.memory_space<hbm>> -> memref<10000xf32, #tpu.memory_space<hbm>>
      tpu.enqueue_dma source(%dma_start3A_15 : memref<10000xf32, #tpu.memory_space<hbm>>) target(%arg11 : memref<10000xf32, #tpu.memory_space<vmem>>) target_semaphore(%run_scoped3A_10 : memref<!tpu.dma_semaphore, #tpu.memory_space<semaphore_mem>>)
      %dma_wait3A = arith.constant 0 : i32
      %dma_wait3A_16 = tpu.memref_slice %arg5[%run_scoped3A, %dma_wait3A] : memref<2x10000xf32, #tpu.memory_space<hbm>> -> memref<1x10000xf32, #tpu.memory_space<hbm>>
      %dma_wait3A_17 = tpu.memref_squeeze %dma_wait3A_16 : memref<1x10000xf32, #tpu.memory_space<hbm>> -> memref<10000xf32, #tpu.memory_space<hbm>>
      %dma_wait3A_18 = arith.constant 0 : i32
      %dma_wait3A_19 = tpu.memref_slice %arg5[%run_scoped3A, %dma_wait3A_18] : memref<2x10000xf32, #tpu.memory_space<hbm>> -> memref<1x10000xf32, #tpu.memory_space<hbm>>
      %dma_wait3A_20 = tpu.memref_squeeze %dma_wait3A_19 : memref<1x10000xf32, #tpu.memory_space<hbm>> -> memref<10000xf32, #tpu.memory_space<hbm>>
      tpu.wait_dma2 semaphore(%run_scoped3A_10 : memref<!tpu.dma_semaphore, #tpu.memory_space<semaphore_mem>>) src(%dma_wait3A_20 : memref<10000xf32, #tpu.memory_space<hbm>>) dst(%arg11 : memref<10000xf32, #tpu.memory_space<vmem>>)
      tpu.yield
    }) : () -> ()
    %run_scoped3A_1 = arith.constant 1 : i32
    "tpu.region"() ({
      %run_scoped3A_10 = tpu.sem_alloc : memref<!tpu.dma_semaphore, #tpu.memory_space<semaphore_mem>>
      %dma_start3A = arith.constant 0 : i32
      %dma_start3A_11 = tpu.memref_slice %arg5[%run_scoped3A_1, %dma_start3A] : memref<2x10000xf32, #tpu.memory_space<hbm>> -> memref<1x10000xf32, #tpu.memory_space<hbm>>
      %dma_start3A_12 = tpu.memref_squeeze %dma_start3A_11 : memref<1x10000xf32, #tpu.memory_space<hbm>> -> memref<10000xf32, #tpu.memory_space<hbm>>
      %dma_start3A_13 = arith.constant 0 : i32
      %dma_start3A_14 = tpu.memref_slice %arg5[%run_scoped3A_1, %dma_start3A_13] : memref<2x10000xf32, #tpu.memory_space<hbm>> -> memref<1x10000xf32, #tpu.memory_space<hbm>>
      %dma_start3A_15 = tpu.memref_squeeze %dma_start3A_14 : memref<1x10000xf32, #tpu.memory_space<hbm>> -> memref<10000xf32, #tpu.memory_space<hbm>>
      tpu.enqueue_dma source(%dma_start3A_15 : memref<10000xf32, #tpu.memory_space<hbm>>) target(%arg12 : memref<10000xf32, #tpu.memory_space<vmem>>) target_semaphore(%run_scoped3A_10 : memref<!tpu.dma_semaphore, #tpu.memory_space<semaphore_mem>>)
      %dma_wait3A = arith.constant 0 : i32
      %dma_wait3A_16 = tpu.memref_slice %arg5[%run_scoped3A_1, %dma_wait3A] : memref<2x10000xf32, #tpu.memory_space<hbm>> -> memref<1x10000xf32, #tpu.memory_space<hbm>>
      %dma_wait3A_17 = tpu.memref_squeeze %dma_wait3A_16 : memref<1x10000xf32, #tpu.memory_space<hbm>> -> memref<10000xf32, #tpu.memory_space<hbm>>
      %dma_wait3A_18 = arith.constant 0 : i32
      %dma_wait3A_19 = tpu.memref_slice %arg5[%run_scoped3A_1, %dma_wait3A_18] : memref<2x10000xf32, #tpu.memory_space<hbm>> -> memref<1x10000xf32, #tpu.memory_space<hbm>>
      %dma_wait3A_20 = tpu.memref_squeeze %dma_wait3A_19 : memref<1x10000xf32, #tpu.memory_space<hbm>> -> memref<10000xf32, #tpu.memory_space<hbm>>
      tpu.wait_dma2 semaphore(%run_scoped3A_10 : memref<!tpu.dma_semaphore, #tpu.memory_space<semaphore_mem>>) src(%dma_wait3A_20 : memref<10000xf32, #tpu.memory_space<hbm>>) dst(%arg12 : memref<10000xf32, #tpu.memory_space<vmem>>)
      tpu.yield
    }) : () -> ()
    "tpu.region"() ({
      %run_scoped3A_10 = tpu.sem_alloc : memref<!tpu.dma_semaphore, #tpu.memory_space<semaphore_mem>>
      tpu.enqueue_dma source(%arg4 : memref<10000xf32, #tpu.memory_space<hbm>>) target(%arg13 : memref<10000xf32, #tpu.memory_space<vmem>>) target_semaphore(%run_scoped3A_10 : memref<!tpu.dma_semaphore, #tpu.memory_space<semaphore_mem>>)
      tpu.wait_dma2 semaphore(%run_scoped3A_10 : memref<!tpu.dma_semaphore, #tpu.memory_space<semaphore_mem>>) src(%arg4 : memref<10000xf32, #tpu.memory_space<hbm>>) dst(%arg13 : memref<10000xf32, #tpu.memory_space<vmem>>)
      tpu.yield
    }) : () -> ()
    "tpu.region"() ({
      %run_scoped3A_10 = tpu.sem_alloc : memref<!tpu.dma_semaphore, #tpu.memory_space<semaphore_mem>>
      tpu.enqueue_dma source(%arg6 : memref<16xf32, #tpu.memory_space<hbm>>) target(%arg16 : memref<16xf32, #tpu.memory_space<vmem>>) target_semaphore(%run_scoped3A_10 : memref<!tpu.dma_semaphore, #tpu.memory_space<semaphore_mem>>)
      tpu.wait_dma2 semaphore(%run_scoped3A_10 : memref<!tpu.dma_semaphore, #tpu.memory_space<semaphore_mem>>) src(%arg6 : memref<16xf32, #tpu.memory_space<hbm>>) dst(%arg16 : memref<16xf32, #tpu.memory_space<vmem>>)
      tpu.yield
    }) : () -> ()
    %get3A = arith.constant 0 : index
    %get3A_2 = tpu.vector_load %arg16[%get3A] {strides = array<i32>} : memref<16xf32, #tpu.memory_space<vmem>>, vector<16xf32>,
    %parallel_loop3A = arith.constant 0 : i32
    %parallel_loop3A_3 = arith.constant 625 : i32
    %parallel_loop3A_4 = arith.constant 1 : i32
    scf.for %parallel_loop3A_10 = %parallel_loop3A to %parallel_loop3A_3 step %parallel_loop3A_4  : i32 {
      %parallel_loop3A_11 = arith.constant 16 : i32
      %parallel_loop3A_12 = arith.muli %parallel_loop3A_10, %parallel_loop3A_11 : i32
      %parallel_loop3A_13 = arith.index_cast %parallel_loop3A_12 : i32 to index
      %parallel_loop3A_14 = tpu.vector_load %arg13[%parallel_loop3A_13] {strides = array<i32>} : memref<10000xf32, #tpu.memory_space<vmem>>, vector<16xf32>,
      %parallel_loop3A_15 = arith.subf %parallel_loop3A_14, %get3A_2 : vector<16xf32>
      %parallel_loop3A_16 = math.exp %parallel_loop3A_15 : vector<16xf32>
      %parallel_loop3A_17 = arith.index_cast %parallel_loop3A_12 : i32 to index
      %parallel_loop3A_18 = tpu.vector_load %arg11[%parallel_loop3A_17] {strides = array<i32>} : memref<10000xf32, #tpu.memory_space<vmem>>, vector<16xf32>,
      %parallel_loop3A_19 = arith.index_cast %parallel_loop3A_12 : i32 to index
      %parallel_loop3A_20 = tpu.vector_load %arg12[%parallel_loop3A_19] {strides = array<i32>} : memref<10000xf32, #tpu.memory_space<vmem>>, vector<16xf32>,
      %parallel_loop3A_21 = arith.addf %parallel_loop3A_18, %parallel_loop3A_20 : vector<16xf32>
      %parallel_loop3A_22 = arith.addf %parallel_loop3A_21, %parallel_loop3A_16 : vector<16xf32>
      %parallel_loop3A_23 = arith.index_cast %parallel_loop3A_12 : i32 to index
      %parallel_loop3A_24 = tpu.vector_load %arg11[%parallel_loop3A_23] {strides = array<i32>} : memref<10000xf32, #tpu.memory_space<vmem>>, vector<16xf32>,
      tpu.vector_store %arg11[%parallel_loop3A_23], %parallel_loop3A_22 {strides = array<i32>} : memref<10000xf32, #tpu.memory_space<vmem>>, vector<16xf32>,
      %parallel_loop3A_25 = arith.divf %parallel_loop3A_16, %parallel_loop3A_22 : vector<16xf32>
      %parallel_loop3A_26 = arith.index_cast %parallel_loop3A_12 : i32 to index
      %parallel_loop3A_27 = tpu.vector_load %arg14[%parallel_loop3A_26] {strides = array<i32>} : memref<10000xf32, #tpu.memory_space<vmem>>, vector<16xf32>,
      tpu.vector_store %arg14[%parallel_loop3A_26], %parallel_loop3A_25 {strides = array<i32>} : memref<10000xf32, #tpu.memory_space<vmem>>, vector<16xf32>,
    } {sc.loop_unroll_factor = 2 : i64, sc.parallel_access}
    %eq3A = arith.constant 0 : i32
    %eq3A_5 = arith.cmpi eq, %add3A, %eq3A : i32
    %convert_element_type3A = arith.extui %eq3A_5 : i1 to i32
    %cond3A = arith.constant 0 : i32
    %cond3A_6 = arith.cmpi ne, %convert_element_type3A, %cond3A : i32
    scf.if %cond3A_6 {
      "tpu.region"() ({
        %run_scoped3A_10 = tpu.sem_alloc : memref<!tpu.dma_semaphore, #tpu.memory_space<semaphore_mem>>
        tpu.enqueue_dma source(%arg14 : memref<10000xf32, #tpu.memory_space<vmem>>) target(%arg8 : memref<10000xf32, #tpu.memory_space<hbm>>) target_semaphore(%run_scoped3A_10 : memref<!tpu.dma_semaphore, #tpu.memory_space<semaphore_mem>>)
        tpu.wait_dma2 semaphore(%run_scoped3A_10 : memref<!tpu.dma_semaphore, #tpu.memory_space<semaphore_mem>>) src(%arg14 : memref<10000xf32, #tpu.memory_space<vmem>>) dst(%arg8 : memref<10000xf32, #tpu.memory_space<hbm>>)
        tpu.yield
      }) : () -> ()
    } else {
    }
    "tpu.region"() ({
      %run_scoped3A_10 = tpu.sem_alloc : memref<!tpu.dma_semaphore, #tpu.memory_space<semaphore_mem>>
      %dma_start3A = arith.constant 0 : i32
      %dma_start3A_11 = tpu.memref_slice %arg2[%add3A, %dma_start3A] : memref<32x10000xf32, #tpu.memory_space<hbm>> -> memref<1x10000xf32, #tpu.memory_space<hbm>>
      %dma_start3A_12 = tpu.memref_squeeze %dma_start3A_11 : memref<1x10000xf32, #tpu.memory_space<hbm>> -> memref<10000xf32, #tpu.memory_space<hbm>>
      %dma_start3A_13 = arith.constant 0 : i32
      %dma_start3A_14 = tpu.memref_slice %arg2[%add3A, %dma_start3A_13] : memref<32x10000xf32, #tpu.memory_space<hbm>> -> memref<1x10000xf32, #tpu.memory_space<hbm>>
      %dma_start3A_15 = tpu.memref_squeeze %dma_start3A_14 : memref<1x10000xf32, #tpu.memory_space<hbm>> -> memref<10000xf32, #tpu.memory_space<hbm>>
      tpu.enqueue_dma source(%dma_start3A_15 : memref<10000xf32, #tpu.memory_space<hbm>>) target(%arg9 : memref<10000xf32, #tpu.memory_space<vmem>>) target_semaphore(%run_scoped3A_10 : memref<!tpu.dma_semaphore, #tpu.memory_space<semaphore_mem>>)
      %dma_wait3A = arith.constant 0 : i32
      %dma_wait3A_16 = tpu.memref_slice %arg2[%add3A, %dma_wait3A] : memref<32x10000xf32, #tpu.memory_space<hbm>> -> memref<1x10000xf32, #tpu.memory_space<hbm>>
      %dma_wait3A_17 = tpu.memref_squeeze %dma_wait3A_16 : memref<1x10000xf32, #tpu.memory_space<hbm>> -> memref<10000xf32, #tpu.memory_space<hbm>>
      %dma_wait3A_18 = arith.constant 0 : i32
      %dma_wait3A_19 = tpu.memref_slice %arg2[%add3A, %dma_wait3A_18] : memref<32x10000xf32, #tpu.memory_space<hbm>> -> memref<1x10000xf32, #tpu.memory_space<hbm>>
      %dma_wait3A_20 = tpu.memref_squeeze %dma_wait3A_19 : memref<1x10000xf32, #tpu.memory_space<hbm>> -> memref<10000xf32, #tpu.memory_space<hbm>>
      tpu.wait_dma2 semaphore(%run_scoped3A_10 : memref<!tpu.dma_semaphore, #tpu.memory_space<semaphore_mem>>) src(%dma_wait3A_20 : memref<10000xf32, #tpu.memory_space<hbm>>) dst(%arg9 : memref<10000xf32, #tpu.memory_space<vmem>>)
      tpu.yield
    }) : () -> ()
    "tpu.region"() ({
      %run_scoped3A_10 = tpu.sem_alloc : memref<!tpu.dma_semaphore, #tpu.memory_space<semaphore_mem>>
      %dma_start3A = arith.constant 0 : i32
      %dma_start3A_11 = tpu.memref_slice %arg3[%add3A, %dma_start3A] : memref<32x10000xi32, #tpu.memory_space<hbm>> -> memref<1x10000xi32, #tpu.memory_space<hbm>>
      %dma_start3A_12 = tpu.memref_squeeze %dma_start3A_11 : memref<1x10000xi32, #tpu.memory_space<hbm>> -> memref<10000xi32, #tpu.memory_space<hbm>>
      %dma_start3A_13 = arith.constant 0 : i32
      %dma_start3A_14 = tpu.memref_slice %arg3[%add3A, %dma_start3A_13] : memref<32x10000xi32, #tpu.memory_space<hbm>> -> memref<1x10000xi32, #tpu.memory_space<hbm>>
      %dma_start3A_15 = tpu.memref_squeeze %dma_start3A_14 : memref<1x10000xi32, #tpu.memory_space<hbm>> -> memref<10000xi32, #tpu.memory_space<hbm>>
      tpu.enqueue_dma source(%dma_start3A_15 : memref<10000xi32, #tpu.memory_space<hbm>>) target(%arg10 : memref<10000xi32, #tpu.memory_space<vmem>>) target_semaphore(%run_scoped3A_10 : memref<!tpu.dma_semaphore, #tpu.memory_space<semaphore_mem>>)
      %dma_wait3A = arith.constant 0 : i32
      %dma_wait3A_16 = tpu.memref_slice %arg3[%add3A, %dma_wait3A] : memref<32x10000xi32, #tpu.memory_space<hbm>> -> memref<1x10000xi32, #tpu.memory_space<hbm>>
      %dma_wait3A_17 = tpu.memref_squeeze %dma_wait3A_16 : memref<1x10000xi32, #tpu.memory_space<hbm>> -> memref<10000xi32, #tpu.memory_space<hbm>>
      %dma_wait3A_18 = arith.constant 0 : i32
      %dma_wait3A_19 = tpu.memref_slice %arg3[%add3A, %dma_wait3A_18] : memref<32x10000xi32, #tpu.memory_space<hbm>> -> memref<1x10000xi32, #tpu.memory_space<hbm>>
      %dma_wait3A_20 = tpu.memref_squeeze %dma_wait3A_19 : memref<1x10000xi32, #tpu.memory_space<hbm>> -> memref<10000xi32, #tpu.memory_space<hbm>>
      tpu.wait_dma2 semaphore(%run_scoped3A_10 : memref<!tpu.dma_semaphore, #tpu.memory_space<semaphore_mem>>) src(%dma_wait3A_20 : memref<10000xi32, #tpu.memory_space<hbm>>) dst(%arg10 : memref<10000xi32, #tpu.memory_space<vmem>>)
      tpu.yield
    }) : () -> ()
    %parallel_loop3A_7 = arith.constant 0 : i32
    %parallel_loop3A_8 = arith.constant 625 : i32
    %parallel_loop3A_9 = arith.constant 1 : i32
    scf.for %parallel_loop3A_10 = %parallel_loop3A_7 to %parallel_loop3A_8 step %parallel_loop3A_9  : i32 {
      %parallel_loop3A_11 = arith.constant 16 : i32
      %parallel_loop3A_12 = arith.muli %parallel_loop3A_10, %parallel_loop3A_11 : i32
      %parallel_loop3A_13 = arith.index_cast %parallel_loop3A_12 : i32 to index
      %parallel_loop3A_14 = tpu.vector_load %arg9[%parallel_loop3A_13] {strides = array<i32>} : memref<10000xf32, #tpu.memory_space<vmem>>, vector<16xf32>,
      %parallel_loop3A_15 = arith.index_cast %parallel_loop3A_12 : i32 to index
      %parallel_loop3A_16 = tpu.vector_load %arg10[%parallel_loop3A_15] {strides = array<i32>} : memref<10000xi32, #tpu.memory_space<vmem>>, vector<16xi32>,
      %parallel_loop3A_17 = tpu.vector_load_idx %arg11[%parallel_loop3A_16] : memref<10000xf32, #tpu.memory_space<vmem>>[vector<16xi32>], vector<16xf32>,
      %parallel_loop3A_18 = arith.subf %parallel_loop3A_14, %get3A_2 : vector<16xf32>
      %parallel_loop3A_19 = math.exp %parallel_loop3A_18 : vector<16xf32>
      %parallel_loop3A_20 = arith.divf %parallel_loop3A_19, %parallel_loop3A_17 : vector<16xf32>
      %parallel_loop3A_21 = arith.index_cast %parallel_loop3A_12 : i32 to index
      %parallel_loop3A_22 = tpu.vector_load %arg15[%parallel_loop3A_21] {strides = array<i32>} : memref<10000xf32, #tpu.memory_space<vmem>>, vector<16xf32>,
      tpu.vector_store %arg15[%parallel_loop3A_21], %parallel_loop3A_20 {strides = array<i32>} : memref<10000xf32, #tpu.memory_space<vmem>>, vector<16xf32>,
    } {sc.loop_unroll_factor = 2 : i64, sc.parallel_access}
    "tpu.region"() ({
      %run_scoped3A_10 = tpu.sem_alloc : memref<!tpu.dma_semaphore, #tpu.memory_space<semaphore_mem>>
      %dma_start3A = arith.constant 0 : i32
      %dma_start3A_11 = tpu.memref_slice %arg7[%add3A, %dma_start3A] : memref<32x10000xf32, #tpu.memory_space<hbm>> -> memref<1x10000xf32, #tpu.memory_space<hbm>>
      %dma_start3A_12 = tpu.memref_squeeze %dma_start3A_11 : memref<1x10000xf32, #tpu.memory_space<hbm>> -> memref<10000xf32, #tpu.memory_space<hbm>>
      %dma_start3A_13 = arith.constant 0 : i32
      %dma_start3A_14 = tpu.memref_slice %arg7[%add3A, %dma_start3A_13] : memref<32x10000xf32, #tpu.memory_space<hbm>> -> memref<1x10000xf32, #tpu.memory_space<hbm>>
      %dma_start3A_15 = tpu.memref_squeeze %dma_start3A_14 : memref<1x10000xf32, #tpu.memory_space<hbm>> -> memref<10000xf32, #tpu.memory_space<hbm>>
      tpu.enqueue_dma source(%arg15 : memref<10000xf32, #tpu.memory_space<vmem>>) target(%dma_start3A_15 : memref<10000xf32, #tpu.memory_space<hbm>>) target_semaphore(%run_scoped3A_10 : memref<!tpu.dma_semaphore, #tpu.memory_space<semaphore_mem>>)
      %dma_wait3A = arith.constant 0 : i32
      %dma_wait3A_16 = tpu.memref_slice %arg7[%add3A, %dma_wait3A] : memref<32x10000xf32, #tpu.memory_space<hbm>> -> memref<1x10000xf32, #tpu.memory_space<hbm>>
      %dma_wait3A_17 = tpu.memref_squeeze %dma_wait3A_16 : memref<1x10000xf32, #tpu.memory_space<hbm>> -> memref<10000xf32, #tpu.memory_space<hbm>>
      %dma_wait3A_18 = arith.constant 0 : i32
      %dma_wait3A_19 = tpu.memref_slice %arg7[%add3A, %dma_wait3A_18] : memref<32x10000xf32, #tpu.memory_space<hbm>> -> memref<1x10000xf32, #tpu.memory_space<hbm>>
      %dma_wait3A_20 = tpu.memref_squeeze %dma_wait3A_19 : memref<1x10000xf32, #tpu.memory_space<hbm>> -> memref<10000xf32, #tpu.memory_space<hbm>>
      tpu.wait_dma2 semaphore(%run_scoped3A_10 : memref<!tpu.dma_semaphore, #tpu.memory_space<semaphore_mem>>) src(%arg15 : memref<10000xf32, #tpu.memory_space<vmem>>) dst(%dma_wait3A_20 : memref<10000xf32, #tpu.memory_space<hbm>>)
      tpu.yield
    }) : () -> ()
    return
  }
}

#map = affine_map<(d0, d1) -> (0, 0)>
#map1 = affine_map<(d0, d1) -> (0, 0, 0)>
#map2 = affine_map<(d0, d1) -> (0)>
module attributes {stable_mosaic.version = 14 : i64} {
  func.func @_denom_body(%arg0: i32, %arg1: i32, %arg2: memref<32x10000xf32, #tpu.memory_space<hbm>>, %arg3: memref<32x125x80xi32, #tpu.memory_space<hbm>>, %arg4: memref<16xf32, #tpu.memory_space<hbm>>, %arg5: memref<2x10000xf32, #tpu.memory_space<hbm>>, %arg6: memref<10000xf32, #tpu.memory_space<vmem>>, %arg7: memref<125x80xi32, #tpu.memory_space<vmem>>, %arg8: memref<10000xf32, #tpu.memory_space<vmem>>, %arg9: memref<10000xf32, #tpu.memory_space<vmem>>, %arg10: memref<16xf32, #tpu.memory_space<vmem>>, %arg11: memref<10000xf32, #tpu.memory_space<vmem_shared>>) attributes {dimension_semantics = [#tpu.dimension_semantics<core_parallel>, #tpu.dimension_semantics<subcore_parallel>], iteration_bounds = array<i64: 2, 16>, scalar_prefetch = 0 : i64, scratch_operands = 6 : i64, tpu.core_type = #tpu.core_type<sc_vector_subcore>, window_params = [{transform_indices = #map}, {transform_indices = #map1}, {transform_indices = #map2}, {transform_indices = #map}]} {
    %mul3A = arith.constant 2 : i32
    %mul3A_0 = arith.muli %arg1, %mul3A : i32
    %add3A = arith.addi %mul3A_0, %arg0 : i32
    "tpu.region"() ({
      %run_scoped3A = tpu.sem_alloc : memref<!tpu.dma_semaphore, #tpu.memory_space<semaphore_mem>>
      %dma_start3A = arith.constant 0 : i32
      %dma_start3A_18 = tpu.memref_slice %arg2[%add3A, %dma_start3A] : memref<32x10000xf32, #tpu.memory_space<hbm>> -> memref<1x10000xf32, #tpu.memory_space<hbm>>
      %dma_start3A_19 = tpu.memref_squeeze %dma_start3A_18 : memref<1x10000xf32, #tpu.memory_space<hbm>> -> memref<10000xf32, #tpu.memory_space<hbm>>
      %dma_start3A_20 = arith.constant 0 : i32
      %dma_start3A_21 = tpu.memref_slice %arg2[%add3A, %dma_start3A_20] : memref<32x10000xf32, #tpu.memory_space<hbm>> -> memref<1x10000xf32, #tpu.memory_space<hbm>>
      %dma_start3A_22 = tpu.memref_squeeze %dma_start3A_21 : memref<1x10000xf32, #tpu.memory_space<hbm>> -> memref<10000xf32, #tpu.memory_space<hbm>>
      tpu.enqueue_dma source(%dma_start3A_22 : memref<10000xf32, #tpu.memory_space<hbm>>) target(%arg6 : memref<10000xf32, #tpu.memory_space<vmem>>) target_semaphore(%run_scoped3A : memref<!tpu.dma_semaphore, #tpu.memory_space<semaphore_mem>>)
      %dma_wait3A = arith.constant 0 : i32
      %dma_wait3A_23 = tpu.memref_slice %arg2[%add3A, %dma_wait3A] : memref<32x10000xf32, #tpu.memory_space<hbm>> -> memref<1x10000xf32, #tpu.memory_space<hbm>>
      %dma_wait3A_24 = tpu.memref_squeeze %dma_wait3A_23 : memref<1x10000xf32, #tpu.memory_space<hbm>> -> memref<10000xf32, #tpu.memory_space<hbm>>
      %dma_wait3A_25 = arith.constant 0 : i32
      %dma_wait3A_26 = tpu.memref_slice %arg2[%add3A, %dma_wait3A_25] : memref<32x10000xf32, #tpu.memory_space<hbm>> -> memref<1x10000xf32, #tpu.memory_space<hbm>>
      %dma_wait3A_27 = tpu.memref_squeeze %dma_wait3A_26 : memref<1x10000xf32, #tpu.memory_space<hbm>> -> memref<10000xf32, #tpu.memory_space<hbm>>
      tpu.wait_dma2 semaphore(%run_scoped3A : memref<!tpu.dma_semaphore, #tpu.memory_space<semaphore_mem>>) src(%dma_wait3A_27 : memref<10000xf32, #tpu.memory_space<hbm>>) dst(%arg6 : memref<10000xf32, #tpu.memory_space<vmem>>)
      tpu.yield
    }) : () -> ()
    "tpu.region"() ({
      %run_scoped3A = tpu.sem_alloc : memref<!tpu.dma_semaphore, #tpu.memory_space<semaphore_mem>>
      %dma_start3A = arith.constant 0 : i32
      %dma_start3A_18 = arith.constant 0 : i32
      %dma_start3A_19 = tpu.memref_slice %arg3[%add3A, %dma_start3A, %dma_start3A_18] : memref<32x125x80xi32, #tpu.memory_space<hbm>> -> memref<1x125x80xi32, #tpu.memory_space<hbm>>
      %dma_start3A_20 = tpu.memref_squeeze %dma_start3A_19 : memref<1x125x80xi32, #tpu.memory_space<hbm>> -> memref<125x80xi32, #tpu.memory_space<hbm>>
      %dma_start3A_21 = arith.constant 0 : i32
      %dma_start3A_22 = arith.constant 0 : i32
      %dma_start3A_23 = tpu.memref_slice %arg3[%add3A, %dma_start3A_21, %dma_start3A_22] : memref<32x125x80xi32, #tpu.memory_space<hbm>> -> memref<1x125x80xi32, #tpu.memory_space<hbm>>
      %dma_start3A_24 = tpu.memref_squeeze %dma_start3A_23 : memref<1x125x80xi32, #tpu.memory_space<hbm>> -> memref<125x80xi32, #tpu.memory_space<hbm>>
      tpu.enqueue_dma source(%dma_start3A_24 : memref<125x80xi32, #tpu.memory_space<hbm>>) target(%arg7 : memref<125x80xi32, #tpu.memory_space<vmem>>) target_semaphore(%run_scoped3A : memref<!tpu.dma_semaphore, #tpu.memory_space<semaphore_mem>>)
      %dma_wait3A = arith.constant 0 : i32
      %dma_wait3A_25 = arith.constant 0 : i32
      %dma_wait3A_26 = tpu.memref_slice %arg3[%add3A, %dma_wait3A, %dma_wait3A_25] : memref<32x125x80xi32, #tpu.memory_space<hbm>> -> memref<1x125x80xi32, #tpu.memory_space<hbm>>
      %dma_wait3A_27 = tpu.memref_squeeze %dma_wait3A_26 : memref<1x125x80xi32, #tpu.memory_space<hbm>> -> memref<125x80xi32, #tpu.memory_space<hbm>>
      %dma_wait3A_28 = arith.constant 0 : i32
      %dma_wait3A_29 = arith.constant 0 : i32
      %dma_wait3A_30 = tpu.memref_slice %arg3[%add3A, %dma_wait3A_28, %dma_wait3A_29] : memref<32x125x80xi32, #tpu.memory_space<hbm>> -> memref<1x125x80xi32, #tpu.memory_space<hbm>>
      %dma_wait3A_31 = tpu.memref_squeeze %dma_wait3A_30 : memref<1x125x80xi32, #tpu.memory_space<hbm>> -> memref<125x80xi32, #tpu.memory_space<hbm>>
      tpu.wait_dma2 semaphore(%run_scoped3A : memref<!tpu.dma_semaphore, #tpu.memory_space<semaphore_mem>>) src(%dma_wait3A_31 : memref<125x80xi32, #tpu.memory_space<hbm>>) dst(%arg7 : memref<125x80xi32, #tpu.memory_space<vmem>>)
      tpu.yield
    }) : () -> ()
    "tpu.region"() ({
      %run_scoped3A = tpu.sem_alloc : memref<!tpu.dma_semaphore, #tpu.memory_space<semaphore_mem>>
      tpu.enqueue_dma source(%arg4 : memref<16xf32, #tpu.memory_space<hbm>>) target(%arg10 : memref<16xf32, #tpu.memory_space<vmem>>) target_semaphore(%run_scoped3A : memref<!tpu.dma_semaphore, #tpu.memory_space<semaphore_mem>>)
      tpu.wait_dma2 semaphore(%run_scoped3A : memref<!tpu.dma_semaphore, #tpu.memory_space<semaphore_mem>>) src(%arg4 : memref<16xf32, #tpu.memory_space<hbm>>) dst(%arg10 : memref<16xf32, #tpu.memory_space<vmem>>)
      tpu.yield
    }) : () -> ()
    %get3A = arith.constant 0 : index
    %get3A_1 = tpu.vector_load %arg10[%get3A] {strides = array<i32>} : memref<16xf32, #tpu.memory_space<vmem>>, vector<16xf32>,
    %parallel_loop3A = arith.constant 0 : i32
    %parallel_loop3A_2 = arith.constant 625 : i32
    %parallel_loop3A_3 = arith.constant 1 : i32
    scf.for %parallel_loop3A_18 = %parallel_loop3A to %parallel_loop3A_2 step %parallel_loop3A_3  : i32 {
      %parallel_loop3A_19 = arith.constant 0.000000e+00 : f32
      %parallel_loop3A_20 = vector.broadcast %parallel_loop3A_19 : f32 to vector<16xf32>
      %parallel_loop3A_21 = arith.constant 16 : i32
      %parallel_loop3A_22 = arith.muli %parallel_loop3A_18, %parallel_loop3A_21 : i32
      %parallel_loop3A_23 = arith.index_cast %parallel_loop3A_22 : i32 to index
      %parallel_loop3A_24 = tpu.vector_load %arg9[%parallel_loop3A_23] {strides = array<i32>} : memref<10000xf32, #tpu.memory_space<vmem>>, vector<16xf32>,
      tpu.vector_store %arg9[%parallel_loop3A_23], %parallel_loop3A_20 {strides = array<i32>} : memref<10000xf32, #tpu.memory_space<vmem>>, vector<16xf32>,
    } {sc.loop_unroll_factor = 2 : i64, sc.parallel_access}
    %eq3A = arith.constant 0 : i32
    %eq3A_4 = arith.cmpi eq, %arg1, %eq3A : i32
    %convert_element_type3A = arith.extui %eq3A_4 : i1 to i32
    %cond3A = arith.constant 0 : i32
    %cond3A_5 = arith.cmpi ne, %convert_element_type3A, %cond3A : i32
    scf.if %cond3A_5 {
      "tpu.region"() ({
        %run_scoped3A = tpu.sem_alloc : memref<!tpu.dma_semaphore, #tpu.memory_space<semaphore_mem>>
        tpu.enqueue_dma source(%arg9 : memref<10000xf32, #tpu.memory_space<vmem>>) target(%arg11 : memref<10000xf32, #tpu.memory_space<vmem_shared>>) target_semaphore(%run_scoped3A : memref<!tpu.dma_semaphore, #tpu.memory_space<semaphore_mem>>)
        tpu.wait_dma2 semaphore(%run_scoped3A : memref<!tpu.dma_semaphore, #tpu.memory_space<semaphore_mem>>) src(%arg9 : memref<10000xf32, #tpu.memory_space<vmem>>) dst(%arg11 : memref<10000xf32, #tpu.memory_space<vmem_shared>>)
        tpu.yield
      }) : () -> ()
    } else {
    }
    %barrier3A = arith.constant 0 : index
    tpu.barrier barrier_id(%barrier3A)
    %parallel_loop3A_6 = arith.constant 0 : i32
    %parallel_loop3A_7 = arith.constant 625 : i32
    %parallel_loop3A_8 = arith.constant 1 : i32
    scf.for %parallel_loop3A_18 = %parallel_loop3A_6 to %parallel_loop3A_7 step %parallel_loop3A_8  : i32 {
      %parallel_loop3A_19 = arith.constant 16 : i32
      %parallel_loop3A_20 = arith.muli %parallel_loop3A_18, %parallel_loop3A_19 : i32
      %parallel_loop3A_21 = arith.index_cast %parallel_loop3A_20 : i32 to index
      %parallel_loop3A_22 = tpu.vector_load %arg6[%parallel_loop3A_21] {strides = array<i32>} : memref<10000xf32, #tpu.memory_space<vmem>>, vector<16xf32>,
      %parallel_loop3A_23 = arith.subf %parallel_loop3A_22, %get3A_1 : vector<16xf32>
      %parallel_loop3A_24 = math.exp %parallel_loop3A_23 : vector<16xf32>
      %parallel_loop3A_25 = arith.index_cast %parallel_loop3A_20 : i32 to index
      %parallel_loop3A_26 = tpu.vector_load %arg8[%parallel_loop3A_25] {strides = array<i32>} : memref<10000xf32, #tpu.memory_space<vmem>>, vector<16xf32>,
      tpu.vector_store %arg8[%parallel_loop3A_25], %parallel_loop3A_24 {strides = array<i32>} : memref<10000xf32, #tpu.memory_space<vmem>>, vector<16xf32>,
    } {sc.loop_unroll_factor = 2 : i64, sc.parallel_access}
    %parallel_loop3A_9 = arith.constant 0 : i32
    %parallel_loop3A_10 = arith.constant 125 : i32
    %parallel_loop3A_11 = arith.constant 1 : i32
    scf.for %parallel_loop3A_18 = %parallel_loop3A_9 to %parallel_loop3A_10 step %parallel_loop3A_11  : i32 {
      %parallel_loop3A_19 = arith.constant 80 : i32
      %parallel_loop3A_20 = arith.muli %parallel_loop3A_18, %parallel_loop3A_19 : i32
      "tpu.region"() ({
        %parallel_loop3A_21 = tpu.sem_alloc : memref<!tpu.dma_semaphore, #tpu.memory_space<semaphore_mem>>
        %parallel_loop3A_22 = tpu.memref_slice %arg8[%parallel_loop3A_20] : memref<10000xf32, #tpu.memory_space<vmem>> -> memref<80xf32, #tpu.memory_space<vmem>>
        %parallel_loop3A_23 = arith.constant 0 : i32
        %parallel_loop3A_24 = tpu.memref_slice %arg7[%parallel_loop3A_18, %parallel_loop3A_23] : memref<125x80xi32, #tpu.memory_space<vmem>> -> memref<1x80xi32, #tpu.memory_space<vmem>>
        %parallel_loop3A_25 = tpu.memref_squeeze %parallel_loop3A_24 : memref<1x80xi32, #tpu.memory_space<vmem>> -> memref<80xi32, #tpu.memory_space<vmem>>
        %parallel_loop3A_26 = arith.constant 0 : i32
        %parallel_loop3A_27 = tpu.memref_slice %arg11[%parallel_loop3A_26] : memref<10000xf32, #tpu.memory_space<vmem_shared>> -> memref<10000xf32, #tpu.memory_space<vmem_shared>>
        tpu.enqueue_indirect_dma source(%parallel_loop3A_22 : memref<80xf32, #tpu.memory_space<vmem>>) target(%parallel_loop3A_27 : memref<10000xf32, #tpu.memory_space<vmem_shared>>) offsets(%parallel_loop3A_25 : memref<80xi32, #tpu.memory_space<vmem>>) semaphore(%parallel_loop3A_21 : memref<!tpu.dma_semaphore, #tpu.memory_space<semaphore_mem>>) {add = true}
        %parallel_loop3A_28 = tpu.memref_slice %arg8[%parallel_loop3A_20] : memref<10000xf32, #tpu.memory_space<vmem>> -> memref<80xf32, #tpu.memory_space<vmem>>
        %parallel_loop3A_29 = arith.constant 0 : i32
        %parallel_loop3A_30 = tpu.memref_slice %arg7[%parallel_loop3A_18, %parallel_loop3A_29] : memref<125x80xi32, #tpu.memory_space<vmem>> -> memref<1x80xi32, #tpu.memory_space<vmem>>
        %parallel_loop3A_31 = tpu.memref_squeeze %parallel_loop3A_30 : memref<1x80xi32, #tpu.memory_space<vmem>> -> memref<80xi32, #tpu.memory_space<vmem>>
        %parallel_loop3A_32 = arith.constant 0 : i32
        %parallel_loop3A_33 = tpu.memref_slice %arg11[%parallel_loop3A_32] : memref<10000xf32, #tpu.memory_space<vmem_shared>> -> memref<10000xf32, #tpu.memory_space<vmem_shared>>
        tpu.wait_indirect_dma semaphore(%parallel_loop3A_21 : memref<!tpu.dma_semaphore, #tpu.memory_space<semaphore_mem>>) src(%parallel_loop3A_28 : memref<80xf32, #tpu.memory_space<vmem>>) dst(%parallel_loop3A_33 : memref<10000xf32, #tpu.memory_space<vmem_shared>>)
        tpu.yield
      }) : () -> ()
    } {sc.loop_unroll_factor = 1 : i64, sc.parallel_access}
    %barrier3A_12 = arith.constant 0 : index
    tpu.barrier barrier_id(%barrier3A_12)
    %eq3A_13 = arith.constant 0 : i32
    %eq3A_14 = arith.cmpi eq, %arg1, %eq3A_13 : i32
    %convert_element_type3A_15 = arith.extui %eq3A_14 : i1 to i32
    %cond3A_16 = arith.constant 0 : i32
    %cond3A_17 = arith.cmpi ne, %convert_element_type3A_15, %cond3A_16 : i32
    scf.if %cond3A_17 {
      "tpu.region"() ({
        %run_scoped3A = tpu.sem_alloc : memref<!tpu.dma_semaphore, #tpu.memory_space<semaphore_mem>>
        tpu.enqueue_dma source(%arg11 : memref<10000xf32, #tpu.memory_space<vmem_shared>>) target(%arg9 : memref<10000xf32, #tpu.memory_space<vmem>>) target_semaphore(%run_scoped3A : memref<!tpu.dma_semaphore, #tpu.memory_space<semaphore_mem>>)
        tpu.wait_dma2 semaphore(%run_scoped3A : memref<!tpu.dma_semaphore, #tpu.memory_space<semaphore_mem>>) src(%arg11 : memref<10000xf32, #tpu.memory_space<vmem_shared>>) dst(%arg9 : memref<10000xf32, #tpu.memory_space<vmem>>)
        tpu.yield
      }) : () -> ()
      "tpu.region"() ({
        %run_scoped3A = tpu.sem_alloc : memref<!tpu.dma_semaphore, #tpu.memory_space<semaphore_mem>>
        %dma_start3A = arith.constant 0 : i32
        %dma_start3A_18 = tpu.memref_slice %arg5[%arg0, %dma_start3A] : memref<2x10000xf32, #tpu.memory_space<hbm>> -> memref<1x10000xf32, #tpu.memory_space<hbm>>
        %dma_start3A_19 = tpu.memref_squeeze %dma_start3A_18 : memref<1x10000xf32, #tpu.memory_space<hbm>> -> memref<10000xf32, #tpu.memory_space<hbm>>
        %dma_start3A_20 = arith.constant 0 : i32
        %dma_start3A_21 = tpu.memref_slice %arg5[%arg0, %dma_start3A_20] : memref<2x10000xf32, #tpu.memory_space<hbm>> -> memref<1x10000xf32, #tpu.memory_space<hbm>>
        %dma_start3A_22 = tpu.memref_squeeze %dma_start3A_21 : memref<1x10000xf32, #tpu.memory_space<hbm>> -> memref<10000xf32, #tpu.memory_space<hbm>>
        tpu.enqueue_dma source(%arg9 : memref<10000xf32, #tpu.memory_space<vmem>>) target(%dma_start3A_22 : memref<10000xf32, #tpu.memory_space<hbm>>) target_semaphore(%run_scoped3A : memref<!tpu.dma_semaphore, #tpu.memory_space<semaphore_mem>>)
        %dma_wait3A = arith.constant 0 : i32
        %dma_wait3A_23 = tpu.memref_slice %arg5[%arg0, %dma_wait3A] : memref<2x10000xf32, #tpu.memory_space<hbm>> -> memref<1x10000xf32, #tpu.memory_space<hbm>>
        %dma_wait3A_24 = tpu.memref_squeeze %dma_wait3A_23 : memref<1x10000xf32, #tpu.memory_space<hbm>> -> memref<10000xf32, #tpu.memory_space<hbm>>
        %dma_wait3A_25 = arith.constant 0 : i32
        %dma_wait3A_26 = tpu.memref_slice %arg5[%arg0, %dma_wait3A_25] : memref<2x10000xf32, #tpu.memory_space<hbm>> -> memref<1x10000xf32, #tpu.memory_space<hbm>>
        %dma_wait3A_27 = tpu.memref_squeeze %dma_wait3A_26 : memref<1x10000xf32, #tpu.memory_space<hbm>> -> memref<10000xf32, #tpu.memory_space<hbm>>
        tpu.wait_dma2 semaphore(%run_scoped3A : memref<!tpu.dma_semaphore, #tpu.memory_space<semaphore_mem>>) src(%arg9 : memref<10000xf32, #tpu.memory_space<vmem>>) dst(%dma_wait3A_27 : memref<10000xf32, #tpu.memory_space<hbm>>)
        tpu.yield
      }) : () -> ()
    } else {
    }
    return
  }
}

module attributes {stable_mosaic.version = 14 : i64} {
  func.func @_edge_mlp_body(%arg0: i32, %arg1: memref<20x8x128xf32, #tpu.memory_space<vmem>>, %arg2: memref<256x8xbf16, #tpu.memory_space<vmem>>, %arg3: memref<256x256xbf16, #tpu.memory_space<vmem>>, %arg4: memref<256x1xf32, #tpu.memory_space<vmem>>, %arg5: memref<4x10000xf32, #tpu.memory_space<vmem>>, %arg6: memref<128x4xf32, #tpu.memory_space<vmem>>, %arg7: memref<128x1xf32, #tpu.memory_space<vmem>>, %arg8: memref<125x2560xf32, #tpu.memory_space<vmem>>, %arg9: memref<1x1xf32, #tpu.memory_space<vmem>>, %arg10: memref<1x10000xf32, #tpu.memory_space<vmem>>) attributes {dimension_semantics = [#tpu.dimension_semantics<arbitrary>], iteration_bounds = array<i64: 125>, scalar_prefetch = 0 : i64, scratch_operands = 0 : i64, tpu.core_type = #tpu.core_type<tc>, window_params = [{transform_indices = @transform_0, window_bounds = array<i64: 20, 8, 128>}, {pipeline_mode = #tpu.pipeline_mode<synchronous>, transform_indices = @transform_1, window_bounds = array<i64: 256, 8>}, {pipeline_mode = #tpu.pipeline_mode<synchronous>, transform_indices = @transform_2, window_bounds = array<i64: 256, 256>}, {pipeline_mode = #tpu.pipeline_mode<synchronous>, transform_indices = @transform_3, window_bounds = array<i64: 256, 1>}, {pipeline_mode = #tpu.pipeline_mode<synchronous>, transform_indices = @transform_4, window_bounds = array<i64: 4, 10000>}, {pipeline_mode = #tpu.pipeline_mode<synchronous>, transform_indices = @transform_5, window_bounds = array<i64: 128, 4>}, {pipeline_mode = #tpu.pipeline_mode<synchronous>, transform_indices = @transform_6, window_bounds = array<i64: 128, 1>}, {pipeline_mode = #tpu.pipeline_mode<synchronous>, transform_indices = @transform_7, window_bounds = array<i64: 125, 2560>}, {pipeline_mode = #tpu.pipeline_mode<synchronous>, transform_indices = @transform_8, window_bounds = array<i64: 1, 1>}, {pipeline_mode = #tpu.pipeline_mode<synchronous>, transform_indices = @transform_9, window_bounds = array<i64: 1, 10000>}]} {
    %get3A = arith.constant 0 : index
    %get3A_0 = arith.constant 0 : index
    %get3A_1 = arith.constant 0 : index
    %get3A_2 = vector.load %arg1[%get3A, %get3A_0, %get3A_1] : memref<20x8x128xf32, #tpu.memory_space<vmem>>, vector<1x8x128xf32>
    %get3A_3 = vector.shape_cast %get3A_2 : vector<1x8x128xf32> to vector<8x128xf32>
    %get3A_4 = arith.constant 1 : index
    %get3A_5 = arith.constant 0 : index
    %get3A_6 = arith.constant 0 : index
    %get3A_7 = vector.load %arg1[%get3A_4, %get3A_5, %get3A_6] : memref<20x8x128xf32, #tpu.memory_space<vmem>>, vector<1x8x128xf32>
    %get3A_8 = vector.shape_cast %get3A_7 : vector<1x8x128xf32> to vector<8x128xf32>
    %get3A_9 = arith.constant 2 : index
    %get3A_10 = arith.constant 0 : index
    %get3A_11 = arith.constant 0 : index
    %get3A_12 = vector.load %arg1[%get3A_9, %get3A_10, %get3A_11] : memref<20x8x128xf32, #tpu.memory_space<vmem>>, vector<1x8x128xf32>
    %get3A_13 = vector.shape_cast %get3A_12 : vector<1x8x128xf32> to vector<8x128xf32>
    %get3A_14 = arith.constant 3 : index
    %get3A_15 = arith.constant 0 : index
    %get3A_16 = arith.constant 0 : index
    %get3A_17 = vector.load %arg1[%get3A_14, %get3A_15, %get3A_16] : memref<20x8x128xf32, #tpu.memory_space<vmem>>, vector<1x8x128xf32>
    %get3A_18 = vector.shape_cast %get3A_17 : vector<1x8x128xf32> to vector<8x128xf32>
    %get3A_19 = arith.constant 4 : index
    %get3A_20 = arith.constant 0 : index
    %get3A_21 = arith.constant 0 : index
    %get3A_22 = vector.load %arg1[%get3A_19, %get3A_20, %get3A_21] : memref<20x8x128xf32, #tpu.memory_space<vmem>>, vector<1x8x128xf32>
    %get3A_23 = vector.shape_cast %get3A_22 : vector<1x8x128xf32> to vector<8x128xf32>
    %get3A_24 = arith.constant 5 : index
    %get3A_25 = arith.constant 0 : index
    %get3A_26 = arith.constant 0 : index
    %get3A_27 = vector.load %arg1[%get3A_24, %get3A_25, %get3A_26] : memref<20x8x128xf32, #tpu.memory_space<vmem>>, vector<1x8x128xf32>
    %get3A_28 = vector.shape_cast %get3A_27 : vector<1x8x128xf32> to vector<8x128xf32>
    %get3A_29 = arith.constant 6 : index
    %get3A_30 = arith.constant 0 : index
    %get3A_31 = arith.constant 0 : index
    %get3A_32 = vector.load %arg1[%get3A_29, %get3A_30, %get3A_31] : memref<20x8x128xf32, #tpu.memory_space<vmem>>, vector<1x8x128xf32>
    %get3A_33 = vector.shape_cast %get3A_32 : vector<1x8x128xf32> to vector<8x128xf32>
    %get3A_34 = arith.constant 7 : index
    %get3A_35 = arith.constant 0 : index
    %get3A_36 = arith.constant 0 : index
    %get3A_37 = vector.load %arg1[%get3A_34, %get3A_35, %get3A_36] : memref<20x8x128xf32, #tpu.memory_space<vmem>>, vector<1x8x128xf32>
    %get3A_38 = vector.shape_cast %get3A_37 : vector<1x8x128xf32> to vector<8x128xf32>
    %get3A_39 = arith.constant 8 : index
    %get3A_40 = arith.constant 0 : index
    %get3A_41 = arith.constant 0 : index
    %get3A_42 = vector.load %arg1[%get3A_39, %get3A_40, %get3A_41] : memref<20x8x128xf32, #tpu.memory_space<vmem>>, vector<1x8x128xf32>
    %get3A_43 = vector.shape_cast %get3A_42 : vector<1x8x128xf32> to vector<8x128xf32>
    %get3A_44 = arith.constant 9 : index
    %get3A_45 = arith.constant 0 : index
    %get3A_46 = arith.constant 0 : index
    %get3A_47 = vector.load %arg1[%get3A_44, %get3A_45, %get3A_46] : memref<20x8x128xf32, #tpu.memory_space<vmem>>, vector<1x8x128xf32>
    %get3A_48 = vector.shape_cast %get3A_47 : vector<1x8x128xf32> to vector<8x128xf32>
    %get3A_49 = arith.constant 10 : index
    %get3A_50 = arith.constant 0 : index
    %get3A_51 = arith.constant 0 : index
    %get3A_52 = vector.load %arg1[%get3A_49, %get3A_50, %get3A_51] : memref<20x8x128xf32, #tpu.memory_space<vmem>>, vector<1x8x128xf32>
    %get3A_53 = vector.shape_cast %get3A_52 : vector<1x8x128xf32> to vector<8x128xf32>
    %get3A_54 = arith.constant 11 : index
    %get3A_55 = arith.constant 0 : index
    %get3A_56 = arith.constant 0 : index
    %get3A_57 = vector.load %arg1[%get3A_54, %get3A_55, %get3A_56] : memref<20x8x128xf32, #tpu.memory_space<vmem>>, vector<1x8x128xf32>
    %get3A_58 = vector.shape_cast %get3A_57 : vector<1x8x128xf32> to vector<8x128xf32>
    %get3A_59 = arith.constant 12 : index
    %get3A_60 = arith.constant 0 : index
    %get3A_61 = arith.constant 0 : index
    %get3A_62 = vector.load %arg1[%get3A_59, %get3A_60, %get3A_61] : memref<20x8x128xf32, #tpu.memory_space<vmem>>, vector<1x8x128xf32>
    %get3A_63 = vector.shape_cast %get3A_62 : vector<1x8x128xf32> to vector<8x128xf32>
    %get3A_64 = arith.constant 13 : index
    %get3A_65 = arith.constant 0 : index
    %get3A_66 = arith.constant 0 : index
    %get3A_67 = vector.load %arg1[%get3A_64, %get3A_65, %get3A_66] : memref<20x8x128xf32, #tpu.memory_space<vmem>>, vector<1x8x128xf32>
    %get3A_68 = vector.shape_cast %get3A_67 : vector<1x8x128xf32> to vector<8x128xf32>
    %get3A_69 = arith.constant 14 : index
    %get3A_70 = arith.constant 0 : index
    %get3A_71 = arith.constant 0 : index
    %get3A_72 = vector.load %arg1[%get3A_69, %get3A_70, %get3A_71] : memref<20x8x128xf32, #tpu.memory_space<vmem>>, vector<1x8x128xf32>
    %get3A_73 = vector.shape_cast %get3A_72 : vector<1x8x128xf32> to vector<8x128xf32>
    %get3A_74 = arith.constant 15 : index
    %get3A_75 = arith.constant 0 : index
    %get3A_76 = arith.constant 0 : index
    %get3A_77 = vector.load %arg1[%get3A_74, %get3A_75, %get3A_76] : memref<20x8x128xf32, #tpu.memory_space<vmem>>, vector<1x8x128xf32>
    %get3A_78 = vector.shape_cast %get3A_77 : vector<1x8x128xf32> to vector<8x128xf32>
    %get3A_79 = arith.constant 16 : index
    %get3A_80 = arith.constant 0 : index
    %get3A_81 = arith.constant 0 : index
    %get3A_82 = vector.load %arg1[%get3A_79, %get3A_80, %get3A_81] : memref<20x8x128xf32, #tpu.memory_space<vmem>>, vector<1x8x128xf32>
    %get3A_83 = vector.shape_cast %get3A_82 : vector<1x8x128xf32> to vector<8x128xf32>
    %get3A_84 = arith.constant 17 : index
    %get3A_85 = arith.constant 0 : index
    %get3A_86 = arith.constant 0 : index
    %get3A_87 = vector.load %arg1[%get3A_84, %get3A_85, %get3A_86] : memref<20x8x128xf32, #tpu.memory_space<vmem>>, vector<1x8x128xf32>
    %get3A_88 = vector.shape_cast %get3A_87 : vector<1x8x128xf32> to vector<8x128xf32>
    %get3A_89 = arith.constant 18 : index
    %get3A_90 = arith.constant 0 : index
    %get3A_91 = arith.constant 0 : index
    %get3A_92 = vector.load %arg1[%get3A_89, %get3A_90, %get3A_91] : memref<20x8x128xf32, #tpu.memory_space<vmem>>, vector<1x8x128xf32>
    %get3A_93 = vector.shape_cast %get3A_92 : vector<1x8x128xf32> to vector<8x128xf32>
    %get3A_94 = arith.constant 19 : index
    %get3A_95 = arith.constant 0 : index
    %get3A_96 = arith.constant 0 : index
    %get3A_97 = vector.load %arg1[%get3A_94, %get3A_95, %get3A_96] : memref<20x8x128xf32, #tpu.memory_space<vmem>>, vector<1x8x128xf32>
    %get3A_98 = vector.shape_cast %get3A_97 : vector<1x8x128xf32> to vector<8x128xf32>
    %concatenate3A = tpu.concatenate %get3A_3, %get3A_8, %get3A_13, %get3A_18, %get3A_23, %get3A_28, %get3A_33, %get3A_38, %get3A_43, %get3A_48, %get3A_53, %get3A_58, %get3A_63, %get3A_68, %get3A_73, %get3A_78, %get3A_83, %get3A_88, %get3A_93, %get3A_98 in 1 : vector<8x128xf32>, vector<8x128xf32>, vector<8x128xf32>, vector<8x128xf32>, vector<8x128xf32>, vector<8x128xf32>, vector<8x128xf32>, vector<8x128xf32>, vector<8x128xf32>, vector<8x128xf32>, vector<8x128xf32>, vector<8x128xf32>, vector<8x128xf32>, vector<8x128xf32>, vector<8x128xf32>, vector<8x128xf32>, vector<8x128xf32>, vector<8x128xf32>, vector<8x128xf32>, vector<8x128xf32> -> vector<8x2560xf32>
    %convert_element_type3A = arith.truncf %concatenate3A : vector<8x2560xf32> to vector<8x2560xbf16>
    %get3A_99 = arith.constant 0 : index
    %get3A_100 = arith.constant 0 : index
    %get3A_101 = vector.load %arg2[%get3A_99, %get3A_100] : memref<256x8xbf16, #tpu.memory_space<vmem>>, vector<256x8xbf16>
    %dot_general3A = arith.constant dense<0.000000e+00> : vector<256x2560xf32>
    %dot_general3A_102 = tpu.matmul %get3A_101, %convert_element_type3A, %dot_general3A {dimension_numbers = #tpu.dot_dimension_numbers<[1], [0], [0], [1], [0, 0, 1, 1], [], []>, transpose_lhs_hint = false} : vector<256x8xbf16>, vector<8x2560xbf16>, vector<256x2560xf32> -> vector<256x2560xf32>
    %max3A = arith.constant 0.000000e+00 : f32
    %max3A_103 = vector.broadcast %max3A : f32 to vector<256x2560xf32>
    %max3A_104 = arith.maximumf %dot_general3A_102, %max3A_103 : vector<256x2560xf32>
    %convert_element_type3A_105 = arith.truncf %max3A_104 : vector<256x2560xf32> to vector<256x2560xbf16>
    %get3A_106 = arith.constant 0 : index
    %get3A_107 = arith.constant 0 : index
    %get3A_108 = vector.load %arg3[%get3A_106, %get3A_107] : memref<256x256xbf16, #tpu.memory_space<vmem>>, vector<256x256xbf16>
    %dot_general3A_109 = arith.constant dense<0.000000e+00> : vector<256x2560xf32>
    %dot_general3A_110 = tpu.matmul %get3A_108, %convert_element_type3A_105, %dot_general3A_109 {dimension_numbers = #tpu.dot_dimension_numbers<[1], [0], [0], [1], [0, 0, 1, 1], [], []>, transpose_lhs_hint = false} : vector<256x256xbf16>, vector<256x2560xbf16>, vector<256x2560xf32> -> vector<256x2560xf32>
    %max3A_111 = arith.constant 0.000000e+00 : f32
    %max3A_112 = vector.broadcast %max3A_111 : f32 to vector<256x2560xf32>
    %max3A_113 = arith.maximumf %dot_general3A_110, %max3A_112 : vector<256x2560xf32>
    %get3A_114 = arith.constant 0 : index
    %get3A_115 = arith.constant 0 : index
    %get3A_116 = vector.load %arg4[%get3A_114, %get3A_115] : memref<256x1xf32, #tpu.memory_space<vmem>>, vector<256x1xf32>
    %mul3A = vector.broadcast %get3A_116 : vector<256x1xf32> to vector<256x2560xf32>
    %mul3A_117 = arith.mulf %max3A_113, %mul3A : vector<256x2560xf32>
    %reduce_sum3A = arith.constant dense<0.000000e+00> : vector<2560xf32>
    %reduce_sum3A_118 = vector.multi_reduction <add>, %mul3A_117, %reduce_sum3A [0] : vector<256x2560xf32> to vector<2560xf32>
    %broadcast_in_dim3A = vector.shape_cast %reduce_sum3A_118 : vector<2560xf32> to vector<1x2560xf32>
    %swap3A = arith.index_cast %arg0 : i32 to index
    %swap3A_119 = arith.constant 0 : index
    %swap3A_120 = vector.load %arg8[%swap3A, %swap3A_119] : memref<125x2560xf32, #tpu.memory_space<vmem>>, vector<1x2560xf32>
    tpu.vector_store %arg8[%swap3A, %swap3A_119], %broadcast_in_dim3A {strides = array<i32>} : memref<125x2560xf32, #tpu.memory_space<vmem>>, vector<1x2560xf32>,
    %reduce_max3A = vector.shape_cast %broadcast_in_dim3A : vector<1x2560xf32> to vector<1x1x2560xf32>
    %reduce_max3A_121 = arith.constant dense<0xFF800000> : vector<1xf32>
    %reduce_max3A_122 = vector.multi_reduction <maximumf>, %reduce_max3A, %reduce_max3A_121 [1, 2] : vector<1x1x2560xf32> to vector<1xf32>
    %reduce_max3A_123 = vector.shape_cast %reduce_max3A_122 : vector<1xf32> to vector<1x1x1xf32>
    %reduce_max3A_124 = vector.extract %reduce_max3A_123[0, 0, 0] : f32 from vector<1x1x1xf32>
    %broadcast_in_dim3A_125 = vector.broadcast %reduce_max3A_124 : f32 to vector<1x1xf32>
    %eq3A = arith.constant 0 : i32
    %eq3A_126 = arith.cmpi eq, %arg0, %eq3A : i32
    %convert_element_type3A_127 = arith.extui %eq3A_126 : i1 to i32
    %cond3A = arith.constant 0 : i32
    %cond3A_128 = arith.cmpi ne, %convert_element_type3A_127, %cond3A : i32
    scf.if %cond3A_128 {
      %get3A_133 = arith.constant 0 : index
      %get3A_134 = arith.constant 0 : index
      %get3A_135 = vector.load %arg6[%get3A_133, %get3A_134] : memref<128x4xf32, #tpu.memory_space<vmem>>, vector<128x4xf32>
      %get3A_136 = arith.constant 0 : index
      %get3A_137 = arith.constant 0 : index
      %get3A_138 = vector.load %arg5[%get3A_136, %get3A_137] : memref<4x10000xf32, #tpu.memory_space<vmem>>, vector<4x10000xf32>
      %dot_general3A_139 = arith.constant dense<0.000000e+00> : vector<128x10000xf32>
      %dot_general3A_140 = tpu.matmul %get3A_135, %get3A_138, %dot_general3A_139 {dimension_numbers = #tpu.dot_dimension_numbers<[1], [0], [0], [1], [0, 0, 1, 1], [], []>, transpose_lhs_hint = false} : vector<128x4xf32>, vector<4x10000xf32>, vector<128x10000xf32> -> vector<128x10000xf32>
      %max3A_141 = arith.constant 0.000000e+00 : f32
      %max3A_142 = vector.broadcast %max3A_141 : f32 to vector<128x10000xf32>
      %max3A_143 = arith.maximumf %dot_general3A_140, %max3A_142 : vector<128x10000xf32>
      %get3A_144 = arith.constant 0 : index
      %get3A_145 = arith.constant 0 : index
      %get3A_146 = vector.load %arg7[%get3A_144, %get3A_145] : memref<128x1xf32, #tpu.memory_space<vmem>>, vector<128x1xf32>
      %mul3A_147 = vector.broadcast %get3A_146 : vector<128x1xf32> to vector<128x10000xf32>
      %mul3A_148 = arith.mulf %max3A_143, %mul3A_147 : vector<128x10000xf32>
      %reduce_sum3A_149 = arith.constant dense<0.000000e+00> : vector<10000xf32>
      %reduce_sum3A_150 = vector.multi_reduction <add>, %mul3A_148, %reduce_sum3A_149 [0] : vector<128x10000xf32> to vector<10000xf32>
      %broadcast_in_dim3A_151 = vector.shape_cast %reduce_sum3A_150 : vector<10000xf32> to vector<1x10000xf32>
      %swap3A_152 = arith.constant 0 : index
      %swap3A_153 = arith.constant 0 : index
      %swap3A_154 = vector.load %arg10[%swap3A_152, %swap3A_153] : memref<1x10000xf32, #tpu.memory_space<vmem>>, vector<1x10000xf32>
      tpu.vector_store %arg10[%swap3A_152, %swap3A_153], %broadcast_in_dim3A_151 {strides = array<i32>} : memref<1x10000xf32, #tpu.memory_space<vmem>>, vector<1x10000xf32>,
      %reduce_max3A_155 = vector.shape_cast %broadcast_in_dim3A_151 : vector<1x10000xf32> to vector<1x1x10000xf32>
      %reduce_max3A_156 = arith.constant dense<0xFF800000> : vector<1xf32>
      %reduce_max3A_157 = vector.multi_reduction <maximumf>, %reduce_max3A_155, %reduce_max3A_156 [1, 2] : vector<1x1x10000xf32> to vector<1xf32>
      %reduce_max3A_158 = vector.shape_cast %reduce_max3A_157 : vector<1xf32> to vector<1x1x1xf32>
      %reduce_max3A_159 = vector.extract %reduce_max3A_158[0, 0, 0] : f32 from vector<1x1x1xf32>
      %broadcast_in_dim3A_160 = vector.broadcast %reduce_max3A_159 : f32 to vector<1x1xf32>
      %max3A_161 = arith.maximumf %broadcast_in_dim3A_125, %broadcast_in_dim3A_160 : vector<1x1xf32>
      %swap3A_162 = arith.constant 0 : index
      %swap3A_163 = arith.constant 0 : index
      %swap3A_164 = vector.load %arg9[%swap3A_162, %swap3A_163] : memref<1x1xf32, #tpu.memory_space<vmem>>, vector<1x1xf32>
      tpu.vector_store %arg9[%swap3A_162, %swap3A_163], %max3A_161 {strides = array<i32>} : memref<1x1xf32, #tpu.memory_space<vmem>>, vector<1x1xf32>,
    } else {
    }
    %gt3A = arith.constant 0 : i32
    %gt3A_129 = arith.cmpi sgt, %arg0, %gt3A : i32
    %convert_element_type3A_130 = arith.extui %gt3A_129 : i1 to i32
    %cond3A_131 = arith.constant 0 : i32
    %cond3A_132 = arith.cmpi ne, %convert_element_type3A_130, %cond3A_131 : i32
    scf.if %cond3A_132 {
      %get3A_133 = arith.constant 0 : index
      %get3A_134 = arith.constant 0 : index
      %get3A_135 = vector.load %arg9[%get3A_133, %get3A_134] : memref<1x1xf32, #tpu.memory_space<vmem>>, vector<1x1xf32>
      %max3A_136 = arith.maximumf %get3A_135, %broadcast_in_dim3A_125 : vector<1x1xf32>
      %swap3A_137 = arith.constant 0 : index
      %swap3A_138 = arith.constant 0 : index
      %swap3A_139 = vector.load %arg9[%swap3A_137, %swap3A_138] : memref<1x1xf32, #tpu.memory_space<vmem>>, vector<1x1xf32>
      tpu.vector_store %arg9[%swap3A_137, %swap3A_138], %max3A_136 {strides = array<i32>} : memref<1x1xf32, #tpu.memory_space<vmem>>, vector<1x1xf32>,
    } else {
    }
    return
  }
  func.func @transform_0(%arg0: i32) -> (i32, i32, i32) {
    %c0_i32 = arith.constant 0 : i32
    %c0_i32_0 = arith.constant 0 : i32
    %c0_i32_1 = arith.constant 0 : i32
    return %arg0, %c0_i32, %c0_i32_0 : i32, i32, i32
  }
  func.func @transform_1(%arg0: i32) -> (i32, i32) {
    %c0_i32 = arith.constant 0 : i32
    %c0_i32_0 = arith.constant 0 : i32
    %c0_i32_1 = arith.constant 0 : i32
    return %c0_i32, %c0_i32_0 : i32, i32
  }
  func.func @transform_2(%arg0: i32) -> (i32, i32) {
    %c0_i32 = arith.constant 0 : i32
    %c0_i32_0 = arith.constant 0 : i32
    %c0_i32_1 = arith.constant 0 : i32
    return %c0_i32, %c0_i32_0 : i32, i32
  }
  func.func @transform_3(%arg0: i32) -> (i32, i32) {
    %c0_i32 = arith.constant 0 : i32
    %c0_i32_0 = arith.constant 0 : i32
    %c0_i32_1 = arith.constant 0 : i32
    return %c0_i32, %c0_i32_0 : i32, i32
  }
  func.func @transform_4(%arg0: i32) -> (i32, i32) {
    %c0_i32 = arith.constant 0 : i32
    %c0_i32_0 = arith.constant 0 : i32
    %c0_i32_1 = arith.constant 0 : i32
    return %c0_i32, %c0_i32_0 : i32, i32
  }
  func.func @transform_5(%arg0: i32) -> (i32, i32) {
    %c0_i32 = arith.constant 0 : i32
    %c0_i32_0 = arith.constant 0 : i32
    %c0_i32_1 = arith.constant 0 : i32
    return %c0_i32, %c0_i32_0 : i32, i32
  }
  func.func @transform_6(%arg0: i32) -> (i32, i32) {
    %c0_i32 = arith.constant 0 : i32
    %c0_i32_0 = arith.constant 0 : i32
    %c0_i32_1 = arith.constant 0 : i32
    return %c0_i32, %c0_i32_0 : i32, i32
  }
  func.func @transform_7(%arg0: i32) -> (i32, i32) {
    %c0_i32 = arith.constant 0 : i32
    %c0_i32_0 = arith.constant 0 : i32
    %c0_i32_1 = arith.constant 0 : i32
    return %c0_i32, %c0_i32_0 : i32, i32
  }
  func.func @transform_8(%arg0: i32) -> (i32, i32) {
    %c0_i32 = arith.constant 0 : i32
    %c0_i32_0 = arith.constant 0 : i32
    %c0_i32_1 = arith.constant 0 : i32
    return %c0_i32, %c0_i32_0 : i32, i32
  }
  func.func @transform_9(%arg0: i32) -> (i32, i32) {
    %c0_i32 = arith.constant 0 : i32
    %c0_i32_0 = arith.constant 0 : i32
    %c0_i32_1 = arith.constant 0 : i32
    return %c0_i32, %c0_i32_0 : i32, i32
  }
}

</mosaic_0001>

<sc_bundles>
// kernel: kernel.12.cloned.1.call-start
scs
__scs_entry_jumppad:
0x0: {  	(pc) =	sbr.rel $0x88, $3  }
0x1: {  	(tag) =	ssettag $0x0;
	lr =	simm.s32 $0x1  }
0x2: {  	[smem:$0x3F97] =	sst lr;
	_ =	strace $0xD0000000  }
0x3: {  	_ = 	snop  }
0x4: {  	_ = 	snop  }
0x5: {  	_ = 	snop  }
0x6: {  	_ = 	snop  }
0x7: {  	_ = 	snop  }
__scs_overlays_trampoline_lowered:
0x8: {  	[smem:$0x3FA6] =	sst s0  }
0x9: {  	[smem:$0x3FA7] =	sst s1  }
0xa: {  	[smem:$0x3FA8] =	sst s2  }
0xb: {  	[smem:$0x3FA9] =	sst s3  }
0xc: {  	[smem:$0x3FAA] =	sst s4  }
0xd: {  	[smem:$0x3FAB] =	sst s5  }
0xe: {  	[smem:$0x3FAC] =	sst s6  }
0xf: {  	[smem:$0x3FAD] =	sst s7  }
0x10: {  	[smem:$0x3FAE] =	sst s8  }
0x11: {  	[smem:$0x3FAF] =	sst s9;
	s0 =	simm.s32 @!p0 $0x0  }
0x12: {  	s1 =	sld [smem:$0x3F95];
	s0 =	simm.s32 @p0 $0x1  }
0x13: {  	[smem:$0x3FB0] =	sst s0;
	s0 =	simm.s32 @!p1 $0x0  }
0x14: {  	s2 =	sld [smem:$0x3F94];
	s0 =	simm.s32 @p1 $0x1  }
0x15: {  	[smem:$0x3FB1] =	sst s0;
	s0 =	simm.s32 @!p2 $0x0  }
0x16: {  	s3 =	sld [smem:$0x3FDB];
	s0 =	simm.s32 @p2 $0x1  }
0x17: {  	s4 =	simm.s32 $0x1BF5;
	[smem:$0x3FB3] =	sst s0  }
0x18: {  	s0 =	sld [smem:$0x3F96];
	_ =	swait.ge [sflag:s4], $0x0  }
0x19: {  	s7 =	sld [smem:$0x3F97]  }
0x1a: {  	s8 =	sadd.s32 $0xFFFFE003, lr  }
0x1b: {  	s9 =	sadd.s32 $0xFFFFFEF7, lr;
	s5 =	simm.s32 $0xFFFFFFFF;
	p2 =	slt.u32 s8, $0xFFFFF086  }
0x1c: {  	p1 =	slt.u32 s9, $0xF7A;
	s5 =	simm.s32 @!p2 $0x0  }
0x1d: {  	s5 =	simm.s32 @p1 $0x1;
	p0 =	seq.s32 s7, s2  }
0x1e: {  	s7 =	smul.u32 @!p0 $0xF7A, s2;
	p2 =	seq.s32 @!p0 s5, $0x0  }
0x1f: {  	s9 =	smul.u32 $0xF7A, s1;
	s8 =	simm.s32 @!p0 $0x1BF5;
	p2 =	por !p2, p0  }
0x20: {  	[sflag:s8] =	ssyncset.s32 @!p0 $0xFFFFF086;
	s6 =	sadd.s32 @!p0 s3, s7;
	s7 =	simm.s32 @!p0 $0x108  }
0x21: {  	s3 =	sadd.s32 s3, s9;
	s6 =	sadd.s32 @!p0 $0x88, s6;
	s7 =	simm.s32 @p2 $0x1082  }
0x22: {  	[simem:s7], [sflag:s8] =	dma.local @!p0 [hbm:s6], $0xF7A  }
0x23: {  	s9 =	sor.u32 $0xD0000000, s2;
	s6 =	simm.s32 $0x108;
	_ =	swait.ge @!p0 [sflag:s8], $0x0  }
0x24: {  	s3 =	sadd.s32 $0x88, s3;
	s6 =	simm.s32 @!p1 $0x1082;
	[sflag:s4] =	ssyncset.s32 $0xFFFFF086  }
0x25: {  	[simem:s6], [sflag:s4] =	dma.local [hbm:s3], $0xF7A  }
0x26: {  	[smem:$0x3F97] =	sst s1;
	(tag) =	ssettag s2;
	_ =	strace s9  }
0x27: {  	s1 =	sld [smem:$0x3FA7]  }
0x28: {  	s2 =	sld [smem:$0x3FA8]  }
0x29: {  	s4 =	sld [smem:$0x3FAA]  }
0x2a: {  	p0 =	seq.s32 s5, $0x0;
	s5 =	sld [smem:$0x3FAB]  }
0x2b: {  	s6 =	sld [smem:$0x3FAC]  }
0x2c: {  	s7 =	sld [smem:$0x3FAD]  }
0x2d: {  	s3 =	simm.s32 $0x108;
	s8 =	sld [smem:$0x3FAE]  }
0x2e: {  	s3 =	simm.s32 @!p0 $0x1082;
	s9 =	sld [smem:$0x3FAF]  }
0x2f: {  	lr =	sadd.s32 s0, s3;
	s0 =	sld [smem:$0x3FA6]  }
0x30: {  	s3 =	sld [smem:$0x3FA9]  }
0x31: {  	[smem:$0x3FB2] =	sst s10  }
0x32: {  	s10 =	sld [smem:$0x3FB0];
	_ =	sdelay $0x3  }
0x33: {  	p0 =	seq.s32 s10, $0x1;
	s10 =	sld [smem:$0x3FB2];
	_ =	sdelay $0x3  }
0x34: {  	[smem:$0x3FB2] =	sst s10  }
0x35: {  	s10 =	sld [smem:$0x3FB1];
	_ =	sdelay $0x3  }
0x36: {  	p1 =	seq.s32 s10, $0x1;
	s10 =	sld [smem:$0x3FB2];
	_ =	sdelay $0x3  }
0x37: {  	[smem:$0x3FB2] =	sst s10  }
0x38: {  	s10 =	sld [smem:$0x3FB3]  }
0x39: {  	_ = 	snop;
	(pc) =	sbr.ind lr, $3  }
0x3a: {  	_ = 	snop  }
0x3b: {  	_ = 	snop  }
0x3c: {  	p2 =	seq.s32 s10, $0x1;
	s10 =	sld [smem:$0x3FB2]  }
0x3d: {  	_ =	shalt  }
0x3e: {  	_ =	shalt  }
0x3f: {  	_ =	shalt  }
0x40: {  	_ =	shalt  }
0x41: {  	_ =	shalt  }
0x42: {  	_ =	shalt  }
0x43: {  	_ =	shalt  }
0x44: {  	_ =	shalt  }
0x45: {  	_ =	shalt  }
0x46: {  	_ =	shalt  }
0x47: {  	_ =	shalt  }
0x48: {  	_ =	shalt  }
0x49: {  	_ =	shalt  }
0x4a: {  	_ =	shalt  }
0x4b: {  	_ =	shalt  }
0x4c: {  	_ =	shalt  }
0x4d: {  	_ =	shalt  }
0x4e: {  	_ =	shalt  }
0x4f: {  	_ =	shalt  }
0x50: {  	_ =	shalt  }
0x51: {  	_ =	shalt  }
0x52: {  	_ =	shalt  }
0x53: {  	_ =	shalt  }
0x54: {  	_ =	shalt  }
0x55: {  	_ =	shalt  }
0x56: {  	_ =	shalt  }
0x57: {  	_ =	shalt  }
0x58: {  	_ =	shalt  }
0x59: {  	_ =	shalt  }
0x5a: {  	_ =	shalt  }
0x5b: {  	_ =	shalt  }
0x5c: {  	_ =	shalt  }
0x5d: {  	_ =	shalt  }
0x5e: {  	_ =	shalt  }
0x5f: {  	_ =	shalt  }
0x60: {  	_ =	shalt  }
0x61: {  	_ =	shalt  }
0x62: {  	_ =	shalt  }
0x63: {  	_ =	shalt  }
0x64: {  	_ =	shalt  }
0x65: {  	_ =	shalt  }
0x66: {  	_ =	shalt  }
0x67: {  	_ =	shalt  }
0x68: {  	_ =	shalt  }
0x69: {  	_ =	shalt  }
0x6a: {  	_ =	shalt  }
0x6b: {  	_ =	shalt  }
0x6c: {  	_ =	shalt  }
0x6d: {  	_ =	shalt  }
0x6e: {  	_ =	shalt  }
0x6f: {  	_ =	shalt  }
0x70: {  	_ =	shalt  }
0x71: {  	_ =	shalt  }
0x72: {  	_ =	shalt  }
0x73: {  	_ =	shalt  }
0x74: {  	_ =	shalt  }
0x75: {  	_ =	shalt  }
0x76: {  	_ =	shalt  }
0x77: {  	_ =	shalt  }
0x78: {  	_ =	shalt  }
0x79: {  	_ =	shalt  }
0x7a: {  	_ =	shalt  }
0x7b: {  	_ =	shalt  }
0x7c: {  	_ =	shalt  }
0x7d: {  	_ =	shalt  }
0x7e: {  	_ =	shalt  }
0x7f: {  	_ =	shalt  }
0x80: {  	_ =	shalt  }
0x81: {  	_ =	shalt  }
0x82: {  	_ =	shalt  }
0x83: {  	_ =	shalt  }
0x84: {  	_ =	shalt  }
0x85: {  	_ =	shalt  }
0x86: {  	_ =	shalt  }
0x87: {  	_ =	shalt  }
.Lfunc_end0:
.L_simem_size_0:
called_computation.2_lowered:
.L_overlay_start_0:
0x88: {  	s2 =	sld [smem:$0x3FD9]  }
0x89: {  	s3 =	sld [smem:$0x3FFE];
	_ =	sdelay $0x1  }
0x8a: {  	s1 =	srdreg.scid  }
0x8b: {  	s0 =	sand.u32 $0x1, s1  }
0x8c: {  	s17 =	sshll.u32 s0, $0xA;
	s2 =	sadd.s32 s3, s2  }
0x8d: {  	s2 =	sadd.s32 s2, s17  }
0x8e: {  	[smem:$0x3FBE] =	sst s2  }
0x8f: {  	_ = 	snop  }
0x90: {  	s2 =	sld [smem:$0x3FD0];
	(tm) =	ssettm $0x1  }
0x91: {  	s18 =	sld [smem:$0x3FFB];
	_ =	sdelay $0x3  }
0x92: {  	_ =	strace s18  }
0x93: {  	s3 =	sld [smem:$0x3FFC];
	_ =	sdelay $0x3  }
0x94: {  	_ =	strace s3  }
0x95: {  	s3 =	sld [smem:$0x3FFD];
	_ =	sdelay $0x3  }
0x96: {  	_ =	strace s3  }
0x97: {  	_ =	strace $0x8FFFFFFF  }
0x98: {  	s19 =	sld [smem:$0x3FDB];
	_ =	sdelay $0x1  }
0x99: {  	s4 =	simm.s32 $_scs_section_size  }
0x9a: {  	s5 =	simm.s32 $_size__tile_overlayer_lowered;
	s6 =	simm.s32 $_tile_overlayer_lowered  }
0x9b: {  	s22 =	simm.s32 $0x1BFF;
	s21 =	sshll.u32 s6, $0x1;
	s3 =	sadd.s32 s4, s19  }
0x9c: {  	s7 =	simm.s32 $0x0;
	s20 =	sshll.u32 s5, $0x1;
	s5 =	sadd.s32 s21, s3  }
0x9d: {  	[timem:s7], [sflag:s22] =	dma.local [hbm:s5], s20  }
0x9e: {  	_ =	swait.ge [sflag:s22], s20  }
0x9f: {  	s4 =	ssub.s32 $0x0, s20;
	[sflag:s22] =	ssyncset.done $0x0  }
0xa0: {  	[sflag:s22] =	ssyncadd.s32 s4;
	_ =	sdelay $0x1  }
0xa1: {  	s23 =	simm.s32 $0x1B8B  }
0xa2: {  	_ =	swait.ge [sflag:s23], $0x1  }
0xa3: {  	[sflag:s23] =	ssyncset.done $0x0  }
0xa4: {  	s25 =	simm.s32 $0x1B8E;
	s24 =	sld [smem:$0x3FFE];
	[sflag:s23] =	ssyncadd.s32 $0xFFFFFFFF  }
0xa5: {  	s26 =	simm.s32 $execute0_lowered;
	[smem:$0x3FD2] =	sst s25  }
0xa6: {  	s5 =	sshll.u32 s26, $0x1;
	_ =	strace $0x8000004C;
	[dreg:$0x1] =	wrdreg $0xFFFFFFFF  }
0xa7: {  	s28 =	simm.s32 $_size_execute0_lowered;
	s3 =	sadd.s32 s3, s5;
	[dreg:$0x0] =	wrdreg $0x0  }
0xa8: {  	s5 =	sshll.u32 s28, $0x1;
	[dreg:$0x2] =	wrdreg s3  }
0xa9: {  	[dreg:$0x3] =	wrdreg s5  }
0xaa: {  	[dreg:$0x4] =	wrdreg $0xC0  }
0xab: {  	_ =	task [dreg:s7], $0x5FFFF  }
0xac: {  	[dreg:$0x1] =	wrdreg $0xFFFFFFFF  }
0xad: {  	[dreg:$0x0] =	wrdreg $0x60  }
0xae: {  	[dreg:$0x2] =	wrdreg s2  }
0xaf: {  	[dreg:$0x3] =	wrdreg s24  }
0xb0: {  	[dreg:$0x4] =	wrdreg $0x9  }
0xb1: {  	_ =	task.clear_ibuf [dreg:s7], $0x5FFFF;
	_ =	strace $0x9000004C  }
0xb2: {  	s29 =	simm.s32 $0x9;
	_ =	strace $0x8000004E  }
0xb3: {  	_ =	swait.ge [sflag:s29], $0x1  }
0xb4: {  	[sflag:s29] =	ssyncadd.s32 $0xFFFFFFFF  }
0xb5: {  	_ =	strace $0x9000004E  }
0xb6: {  	_ =	sfence  }
0xb7: {  	s30 =	sld [smem:$0x0];
	_ =	sdelay $0x2  }
0xb8: {  	s31 =	sshll.u32 s1, $0xD;
	s1 =	sshrl.u32 s1, $0x2  }
0xb9: {  	s3 =	sand.u32 $0x4000, s31;
	s1 =	sadd.s32 s1, s30  }
0xba: {  	s0 =	sor.u32 s3, s0;
	s1 =	sshll.u32 s1, $0x11  }
0xbb: {  	s0 =	sor.u32 s1, s0  }
0xbc: {  	s0 =	sadd.s32 $0x8F2B, s0  }
0xbd: {  	[sflag:s0] =	ssyncadd.remote.s32 $0x1  }
0xbe: {  	_ =	sfence.sel $0xFFFF  }
0xbf: {  	[dreg:$0x0] =	wrdreg $0xFFFFFFFF;
	(pc) =	sbr.abs _section_cstart, $3  }
0xc0: {  	[dreg:$0x1] =	wrdreg $0xFFFFFFFF  }
0xc1: {  	_ =	task.clear_ibuf [dreg:s7], $0x2FFFF;
	_ =	strace $0x9FFFFFFF  }
0xc2: {  	(tm) =	ssettm $0x7FFFFFFF  }
0xc3: {  	_ =	shalt  }
tec
execute0_lowered:
.L_overlay_start_1:
0x0: {  	(tag) =	ssettag $0x1  }
0x1: {  	s8 =	rddreg [dreg:$0x0]  }
0x2: {  	s7 =	rddreg [dreg:$0x1];
	s2 =	srdreg.scid  }
0x3: {  	s1 =	stileid.u32;
	s0 =	rddreg [dreg:$0x2];
	s13 =	simm.s32 $0x100  }
0x4: {  	s14 =	simm.s32 $0x4F00;
	s15 =	simm.s32 $0x1;
	s16 =	simm.s32 $0x7680  }
0x5: {  	s17 =	simm.s32 $0x9E00;
	s18 =	simm.s32 $0x11480;
	s20 =	simm.s32 $0x2780  }
0x6: {  	s21 =	simm.s32 $0xED00;
	s22 =	simm.s32 $0x0;
	s6 =	sand.u32 $0x1, s2  }
0x7: {  	s3 =	sshll.u32 s1, $0x1;
	s2 =	simm.s32 $0x0;
	s30 =	sshrl.u32 s1, $0x2  }
0x8: {  	s4 =	sadd.s32 $0x2800, s7;
	s19 =	sor.u32 s6, s3;
	[smem:$0x7FF] =	sst s2  }
0x9: {  	s5 =	smul.u32 $0x13C00, s30;
	s3 =	sadd.s32 $0xD000, s7;
	s31 =	sshll.u32 s19, $0x7  }
0xa: {  	s10 =	ssub.s32 $0x2, s6;
	s6 =	sadd.s32 $0x17400, s7;
	s9 =	sand.u32 $0x380, s31  }
0xb: {  	_ =	strace $0x8000004D;
	s12 =	sshrl.u32 s10, $0x1;
	s9 =	sor.u32 s5, s9  }
0xc: {  	p0 =	sne.s32 s19, $0x0;
	s19 =	simm.s32 $0x400;
	s9 =	sshrl.u32 s9, $0x3  }
0xd: {  	s12 =	ssub.s32 s10, s12;
	s5 =	sadd.s32 $0x2600, s7;
	s11 =	sadd.s32 s9, s7  }
0xe: {  	s7 =	sadd.s32 $0x2810, s7;
	s8 =	sadd.s32 s8, s9;
	s9 =	sadd.s32 $0x3200, s11  }
0xf: {  	s10 =	sadd.s32 $0xD600, s11;
	s11 =	smax.u32 s12, $0x1;
	s12 =	simm.s32 $0x80  }
.LBB2_1:
0x10: {  	[tilespmem:s14], [sflag:$0x1] =	stream.strided.gather [hbm4b:s4+s12], $0x2780, s13, s12, $0x38;
	[tilespmem:$0x11500] =	vst v63  }
0x11: {  	_ =	swait.ge [sflag:s15], $0x2780  }
0x12: {  	[sflag:s15] =	ssyncset.done $0x0  }
0x13: {  	[sflag:s15] =	ssyncadd.s32 $0xFFFFD880  }
0x14: {  	[tilespmem:s16], [sflag:$0x1] =	stream.strided.gather [hbm4b:s7+s12], $0x2780, s13, s12, $0x38;
	[tilespmem:$0x11500] =	vst v63  }
0x15: {  	_ =	swait.ge [sflag:s15], $0x2780  }
0x16: {  	[sflag:s15] =	ssyncset.done $0x0  }
0x17: {  	[sflag:s15] =	ssyncadd.s32 $0xFFFFD880  }
0x18: {  	[tilespmem:s17], [sflag:$0x1] =	stream.linear.gather [hbm4b:s3+s2], $0x2780, $0x38;
	[tilespmem:$0x11500] =	vst v63  }
0x19: {  	_ =	swait.ge [sflag:s15], $0x2780  }
0x1a: {  	[sflag:s15] =	ssyncset.done $0x0  }
0x1b: {  	[sflag:s15] =	ssyncadd.s32 $0xFFFFD880  }
0x1c: {  	[tilespmem:s18], [sflag:$0x1] =	stream.linear.gather [hbm4b:s5+s2], $0x80, $0x38;
	[tilespmem:$0x11500] =	vst v63  }
0x1d: {  	_ =	swait.ge [sflag:s15], $0x80  }
0x1e: {  	[sflag:s15] =	ssyncset.done $0x0  }
0x1f: {  	[sflag:s15] =	ssyncadd.s32 $0xFFFFFF80  }
0x20: {  	s23 =	simm.s32 $0x9E10;
	v0 =	vld [tilespmem:$0x11480]  }
0x21: {  	v1 =	vld [tilespmem:s23+$0x0];
	_ =	sdelay $0x4  }
0x22: {  	v1 =	vsub.f32 v1, v0  }
0x23: {  	v2 =	vld [tilespmem:s23+$0xFFFFFFF0]  }
0x24: {  	s24 =	simm.s32 $0x9E30;
	v1 =	vmul.f32 $1.442695020e+00, v1  }
0x25: {  	v3 =	vld [tilespmem:s24+$0x0]  }
0x26: {  	s26 =	simm.s32 $0x4F10;
	(erf) = vpow2.f32 v1  }
0x27: {  	v4 =	vld [tilespmem:s26+$0x0]  }
0x28: {  	s25 =	simm.s32 $0x7690;
	v2 =	vsub.f32 v2, v0;
	v1 =	vld [tilespmem:s24+$0xFFFFFFF0]  }
0x29: {  	v5 =	vld [tilespmem:s25+$0x0];
	s24 =	simm.s32 $0x9E50  }
0x2a: {  	v3 =	vsub.f32 v3, v0;
	v2 =	vmul.f32 $1.442695020e+00, v2;
	v6 =	vld [tilespmem:s24+$0x0]  }
0x2b: {  	v7 =	vld [tilespmem:s24+$0xFFFFFFF0]  }
0x2c: {  	v3 =	vmul.f32 $1.442695020e+00, v3;
	(erf) = vpow2.f32 v2  }
0x2d: {  	v8 =	vld [tilespmem:s25+$0xFFFFFFF0];
	v1 =	vsub.f32 v1, v0  }
0x2e: {  	s25 =	simm.s32 $0x9E70;
	v4 =	vadd.f32 v5, v4;
	v2 =	vld [tilespmem:s26+$0xFFFFFFF0];
	(erf) = vpow2.f32 v3  }
0x2f: {  	v10 =	vld [tilespmem:s25+$0x0];
	s24 =	simm.s32 $0x76B0;
	v3 =	vsub.f32 v6, v0;
	v1 =	vmul.f32 $1.442695020e+00, v1;
	v5 =	vpop (erf)  }
0x30: {  	s23 =	simm.s32 $0x4F30;
	v9 =	vld [tilespmem:s24+$0x0];
	v7 =	vsub.f32 v7, v0;
	v6 =	vadd.f32 v5, v4  }
0x31: {  	v3 =	vmul.f32 $1.442695020e+00, v3;
	(erf) = vpow2.f32 v1;
	v4 =	vld [tilespmem:s23+$0x0]  }
0x32: {  	v12 =	vld [tilespmem:s25+$0xFFFFFFF0];
	v7 =	vmul.f32 $1.442695020e+00, v7;
	(erf) = vrcp.f32 v6  }
0x33: {  	v2 =	vadd.f32 v8, v2;
	v8 =	vld [tilespmem:s23+$0xFFFFFFF0];
	(erf) = vpow2.f32 v3  }
0x34: {  	(erf) = vpow2.f32 v7;
	v7 =	vld [tilespmem:s24+$0xFFFFFFF0]  }
0x35: {  	v1 =	vpop (erf)  }
0x36: {  	s25 =	simm.s32 $0x76D0;
	v11 =	vadd.f32 v1, v2;
	v2 =	vadd.f32 v9, v4  }
0x37: {  	v14 =	vld [tilespmem:s25+$0x0];
	s24 =	simm.s32 $0x4F50;
	v4 =	vpop (erf);
	v9 =	vsub.f32 v10, v0  }
0x38: {  	v12 =	vsub.f32 v12, v0;
	(erf) = vrcp.f32 v11;
	v13 =	vld [tilespmem:s24+$0x0];
	v3 =	vadd.f32 v4, v2  }
0x39: {  	s28 =	simm.s32 $0x9E90;
	v17 =	vmul.f32 $1.442695020e+00, v9;
	v7 =	vadd.f32 v7, v8  }
0x3a: {  	v15 =	vld [tilespmem:s28+$0x0];
	[tilespmem:s26+$0xFFFFFFF0] =	vst v11;
	v11 =	vmul.f32 $1.442695020e+00, v12;
	v2 =	vpop (erf);
	(erf) = vrcp.f32 v3  }
0x3b: {  	v16 =	vld [tilespmem:s28+$0xFFFFFFF0];
	(erf) = vpow2.f32 v17;
	v17 =	vadd.f32 v2, v7  }
0x3c: {  	v10 =	vld [tilespmem:s24+$0xFFFFFFF0];
	(erf) = vpow2.f32 v11  }
0x3d: {  	v9 =	vld [tilespmem:s25+$0xFFFFFFF0];
	v13 =	vadd.f32 v14, v13;
	v8 =	vpop (erf);
	(erf) = vrcp.f32 v17  }
0x3e: {  	s29 =	simm.s32 $0x76F0  }
0x3f: {  	s28 =	simm.s32 $0x4F70;
	[tilespmem:s26+$0x0] =	vst v6;
	v12 =	vld [tilespmem:s29+$0x0];
	v18 =	vmul.f32 v8, v5;
	v5 =	vpop (erf)  }
0x40: {  	s25 =	simm.s32 $0xC590;
	v14 =	vsub.f32 v15, v0;
	v8 =	vld [tilespmem:s28+$0x0];
	v7 =	vpop (erf);
	v6 =	vadd.f32 v5, v13;
	[tilespmem:s23+$0xFFFFFFF0] =	vst v17  }
0x41: {  	s30 =	simm.s32 $0x8;
	s31 =	simm.s32 $0x9EB0;
	s26 =	simm.s32 $0x4F70;
	v15 =	vsub.f32 v16, v0;
	v11 =	vld [tilespmem:s28+$0xFFFFFFF0];
	[tilespmem:s25+$0x0] =	vst v18;
	v13 =	vpop (erf)  }
.LBB2_2:
0x42: {  	v16 =	vld [tilespmem:s31+$0x0];
	s30 =	sadd.s32 $0x2, s30;
	v14 =	vmul.f32 $1.442695020e+00, v14;
	v10 =	vadd.f32 v9, v10;
	(erf) = vrcp.f32 v6  }
0x43: {  	v13 =	vmul.f32 v13, v1;
	v1 =	vmovc v2;
	v2 =	vmov v7;
	v17 =	vld [tilespmem:s31+$0xFFFFFFF0];
	p1 =	slt.u32 s30, $0x26E;
	v15 =	vmul.f32 $1.442695020e+00, v15  }
.Ltmp0:
0x44: {  	(erf) = vpow2.f32 v14;
	v9 =	vld [tilespmem:s29+$0xFFFFFFF0];
	v18 =	vadd.f32 v2, v10;
	v7 =	vpop (erf);
	(pc) =	sbr.rel @p1 .LBB2_2-.Ltmp0, $4  }
0x45: {  	s28 =	sadd.s32 $0x20, s28;
	(erf) = vpow2.f32 v15;
	v15 =	vadd.f32 v12, v8;
	v19 =	vmul.f32 v7, v4;
	[tilespmem:s25+$0xFFFFFFF0] =	vst v13;
	v4 =	vmovc v5  }
0x46: {  	s29 =	sadd.s32 $0x20, s29;
	s25 =	sadd.s32 $0x20, s25;
	v8 =	vld [tilespmem:s28+$0x0];
	v5 =	vpop (erf);
	[tilespmem:s23+$0x0] =	vst v3;
	v3 =	vmov v6;
	v10 =	vmov v11;
	s23 =	smov.u32 s24;
	(erf) = vrcp.f32 v18  }
0x47: {  	s24 =	smov.u32 s26;
	s26 =	smov.u32 s28;
	v14 =	vsub.f32 v16, v0;
	v6 =	vadd.f32 v5, v15;
	v12 =	vld [tilespmem:s29+$0x0];
	v7 =	vpop (erf);
	[tilespmem:s25+$0x0] =	vst v19  }
0x48: {  	s31 =	sadd.s32 $0x20, s31;
	v15 =	vsub.f32 v17, v0;
	v11 =	vld [tilespmem:s28+$0xFFFFFFF0];
	[tilespmem:s23+$0xFFFFFFF0] =	vst v18;
	v13 =	vpop (erf)  }
0x49: {  	v14 =	vmul.f32 $1.442695020e+00, v14  }
0x4a: {  	(erf) = vrcp.f32 v6;
	v55 =	vld [tilespmem:s29+$0xFFFFFFF0];
	v9 =	vadd.f32 v9, v10;
	v15 =	vmul.f32 $1.442695020e+00, v15  }
0x4b: {  	s28 =	sadd.s32 $0x20, s28;
	(erf) = vpow2.f32 v14  }
0x4c: {  	s31 =	sadd.s32 $0x20, s29;
	v56 =	vld [tilespmem:s28+$0x0];
	v9 =	vadd.f32 v7, v9;
	(erf) = vpow2.f32 v15  }
0x4d: {  	v57 =	vld [tilespmem:s31+$0x0]  }
0x4e: {  	v16 =	vld [tilespmem:s28+$0xFFFFFFF0];
	v17 =	vpop (erf);
	v8 =	vadd.f32 v12, v8;
	(erf) = vrcp.f32 v9  }
0x4f: {  	v58 =	vld [tilespmem:s31+$0xFFFFFFF0];
	v18 =	vpop (erf);
	v11 =	vadd.f32 v55, v11  }
0x50: {  	v8 =	vadd.f32 v18, v8;
	v59 =	vpop (erf)  }
0x51: {  	v11 =	vadd.f32 v59, v11  }
0x52: {  	v1 =	vmul.f32 v13, v1;
	v60 =	vpop (erf);
	(erf) = vrcp.f32 v8  }
0x53: {  	v10 =	vadd.f32 v57, v56;
	v2 =	vmul.f32 v60, v2;
	v61 =	vpop (erf);
	(erf) = vrcp.f32 v11  }
0x54: {  	[tilespmem:s23+$0x0] =	vst v3;
	v4 =	vmul.f32 v17, v4;
	v12 =	vadd.f32 v58, v16;
	v62 =	vpop (erf)  }
0x55: {  	[tilespmem:s25+$0xFFFFFFF0] =	vst v1;
	s25 =	sadd.s32 $0x20, s25;
	v1 =	vadd.f32 v62, v10;
	v63 =	vpop (erf)  }
0x56: {  	[tilespmem:s25+$0x0] =	vst v4;
	v3 =	vadd.f32 v63, v12  }
0x57: {  	[tilespmem:s25+$0xFFFFFFF0] =	vst v2;
	v4 =	vmul.f32 v61, v5;
	v2 =	vpop (erf);
	(erf) = vrcp.f32 v1  }
0x58: {  	v2 =	vmul.f32 v2, v7;
	(erf) = vrcp.f32 v3  }
0x59: {  	[tilespmem:s24+$0x0] =	vst v6  }
0x5a: {  	s23 =	sadd.s32 $0x20, s25;
	[tilespmem:s24+$0xFFFFFFF0] =	vst v9  }
0x5b: {  	[tilespmem:s23+$0x0] =	vst v4;
	v4 =	vpop (erf)  }
0x5c: {  	[tilespmem:s23+$0xFFFFFFF0] =	vst v2;
	v2 =	vpop (erf)  }
0x5d: {  	[tilespmem:s26+$0x0] =	vst v8;
	v2 =	vmul.f32 v2, v59  }
0x5e: {  	[tilespmem:s26+$0xFFFFFFF0] =	vst v11  }
0x5f: {  	[tilespmem:s28+$0x0] =	vst v1  }
0x60: {  	[tilespmem:s28+$0xFFFFFFF0] =	vst v3;
	s23 =	sadd.s32 $0x20, s23;
	v4 =	vmul.f32 v4, v18;
	v3 =	vpop (erf)  }
0x61: {  	[tilespmem:s23+$0xFFFFFFF0] =	vst v2;
	v3 =	vmul.f32 v3, v62;
	v2 =	vpop (erf)  }
0x62: {  	[tilespmem:s23+$0x0] =	vst v4;
	s23 =	sadd.s32 $0x20, s23;
	v1 =	vmul.f32 v2, v63  }
0x63: {  	[tilespmem:s23+$0x0] =	vst v3  }
0x64: {  	[tilespmem:s23+$0xFFFFFFF0] =	vst v1  }
0x65: {  	v1 =	vld [tilespmem:$0xC500];
	_ =	sdelay $0x4  }
0x66: {  	v1 =	vsub.f32 v1, v0;
	_ =	sdelay $0x1  }
0x67: {  	v1 =	vmul.f32 $1.442695020e+00, v1;
	_ =	sdelay $0x1  }
0x68: {  	(erf) = vpow2.f32 v1;
	_ =	sdelay $0x1  }
0x69: {  	v2 =	vld [tilespmem:$0x9D80]  }
0x6a: {  	v1 =	vld [tilespmem:$0x7600];
	_ =	sdelay $0x4  }
0x6b: {  	v1 =	vadd.f32 v2, v1  }
0x6c: {  	v2 =	vpop (erf)  }
0x6d: {  	v1 =	vadd.f32 v2, v1;
	_ =	sdelay $0x1  }
0x6e: {  	(erf) = vrcp.f32 v1;
	_ =	sdelay $0x8  }
0x6f: {  	v3 =	vpop (erf)  }
0x70: {  	v2 =	vmul.f32 v3, v2  }
0x71: {  	[tilespmem:$0x7600] =	vst v1  }
0x72: {  	s24 =	simm.s32 @!p0 $0xC580;
	s23 =	simm.s32 @!p0 $0x0;
	[tilespmem:$0xEC80] =	vst v2  }
0x73: {  	[hbm4b:s6+s23] =	stream.linear.scatter @!p0 [tilespmem:s24], [sflag:$0x1], $0x2780, $0x38;
	[tilespmem:$0x11500] =	vst v63  }
0x74: {  	s23 =	simm.s32 @!p0 $0x1  }
0x75: {  	_ =	swait.ge @!p0 [sflag:s23], $0x2780  }
0x76: {  	[sflag:s23] =	ssyncset.done @!p0 $0x0  }
0x77: {  	[sflag:s23] =	ssyncadd.s32 @!p0 $0xFFFFD880  }
0x78: {  	[tilespmem:s2], [sflag:$0x1] =	stream.strided.gather [hbm4b:s8+s12], $0x2780, s19, s12, $0x38;
	[tilespmem:$0x11500] =	vst v63  }
0x79: {  	_ =	swait.ge [sflag:s15], $0x2780  }
0x7a: {  	[sflag:s15] =	ssyncset.done $0x0  }
0x7b: {  	[sflag:s15] =	ssyncadd.s32 $0xFFFFD880  }
0x7c: {  	[tilespmem:s20], [sflag:$0x1] =	stream.strided.gather [hbm4b:s9+s12], $0x2780, s19, s12, $0x38;
	[tilespmem:$0x11500] =	vst v63  }
0x7d: {  	_ =	swait.ge [sflag:s15], $0x2780  }
0x7e: {  	[sflag:s15] =	ssyncset.done $0x0  }
0x7f: {  	s26 =	simm.s32 $0x2790;
	[sflag:s15] =	ssyncadd.s32 $0xFFFFD880  }
0x80: {  	v1 =	vld [tilespmem:s26+$0x0];
	_ =	sdelay $0x1  }
0x81: {  	s28 =	simm.s32 $0x10;
	v2 =	vld [tilespmem:s26+$0xFFFFFFF0]  }
0x82: {  	v3 =	vld [tilespmem:s28+$0x0];
	_ =	sdelay $0x1  }
0x83: {  	v4 =	vld [tilespmem:s28+$0xFFFFFFF0]  }
0x84: {  	s29 =	simm.s32 $0x27B0  }
0x85: {  	v5 =	vld [tilespmem:s29+$0x0]  }
0x86: {  	v3 =	vsub.f32 v3, v0;
	v1 =	vld.idx.msk [tilespmem:v1+s14+$0x0], $0xffff;
	_ =	sdelay $0x1  }
0x87: {  	v6 =	vld [tilespmem:s29+$0xFFFFFFF0];
	v4 =	vsub.f32 v4, v0;
	v3 =	vmul.f32 $1.442695020e+00, v3  }
0x88: {  	s30 =	simm.s32 $0x30;
	v2 =	vld.idx.msk [tilespmem:v2+s14+$0x0], $0xffff  }
0x89: {  	(erf) = vpow2.f32 v3;
	v3 =	vmul.f32 $1.442695020e+00, v4;
	v4 =	vld [tilespmem:s30+$0x0]  }
0x8a: {  	(erf) = vrcp.f32 v1;
	v1 =	vld [tilespmem:s30+$0xFFFFFFF0];
	_ =	sdelay $0x1  }
0x8b: {  	(erf) = vpow2.f32 v3  }
0x8c: {  	s31 =	simm.s32 $0x27D0;
	v5 =	vld.idx.msk [tilespmem:v5+s14+$0x0], $0xffff;
	(erf) = vrcp.f32 v2  }
0x8d: {  	v3 =	vsub.f32 v4, v0;
	v2 =	vld [tilespmem:s31+$0x0]  }
0x8e: {  	v4 =	vsub.f32 v1, v0  }
0x8f: {  	v6 =	vld.idx.msk [tilespmem:v6+s14+$0x0], $0xffff;
	v3 =	vmul.f32 $1.442695020e+00, v3  }
0x90: {  	s24 =	simm.s32 $0x50;
	v1 =	vld [tilespmem:s31+$0xFFFFFFF0];
	v4 =	vmul.f32 $1.442695020e+00, v4  }
0x91: {  	v7 =	vpop (erf);
	(erf) = vpow2.f32 v3;
	v3 =	vld [tilespmem:s24+$0x0]  }
0x92: {  	(erf) = vrcp.f32 v5;
	v5 =	vld [tilespmem:s24+$0xFFFFFFF0];
	v8 =	vpop (erf)  }
0x93: {  	(erf) = vpow2.f32 v4;
	v7 =	vmul.f32 v8, v7  }
0x94: {  	s23 =	simm.s32 $0xED10;
	v4 =	vpop (erf)  }
0x95: {  	s25 =	simm.s32 $0x4;
	s26 =	simm.s32 $0x27F0;
	v2 =	vld.idx.msk [tilespmem:v2+s14+$0x0], $0xffff;
	(erf) = vrcp.f32 v6;
	[tilespmem:s23+$0x0] =	vst v7;
	v6 =	vpop (erf)  }
.LBB2_4:
0x96: {  	v7 =	vld [tilespmem:s26+$0x0];
	s25 =	sadd.s32 $0x2, s25;
	v3 =	vsub.f32 v3, v0;
	v4 =	vmul.f32 v6, v4  }
0x97: {  	v6 =	vld [tilespmem:s26+$0xFFFFFFF0];
	p1 =	slt.u32 s25, $0x26E;
	v5 =	vsub.f32 v5, v0  }
0x98: {  	v8 =	vld.idx.msk [tilespmem:v1+s14+$0x0], $0xffff;
	v9 =	vmul.f32 $1.442695020e+00, v3;
	[tilespmem:s23+$0xFFFFFFF0] =	vst v4  }
0x99: {  	s24 =	sadd.s32 $0x20, s24;
	v10 =	vmul.f32 $1.442695020e+00, v5  }
.Ltmp1:
0x9a: {  	v3 =	vld [tilespmem:s24+$0x0];
	(erf) = vpow2.f32 v9;
	v1 =	vpop (erf);
	(pc) =	sbr.rel @p1 .LBB2_4-.Ltmp1, $4  }
0x9b: {  	v5 =	vld [tilespmem:s24+$0xFFFFFFF0];
	(erf) = vrcp.f32 v2;
	v2 =	vpop (erf)  }
0x9c: {  	(erf) = vpow2.f32 v10;
	v9 =	vmul.f32 v2, v1;
	v4 =	vpop (erf);
	v1 =	vmov v6  }
0x9d: {  	s23 =	sadd.s32 $0x20, s23  }
0x9e: {  	s26 =	sadd.s32 $0x20, s26;
	v2 =	vld.idx.msk [tilespmem:v7+s14+$0x0], $0xffff;
	(erf) = vrcp.f32 v8;
	[tilespmem:s23+$0x0] =	vst v9;
	v6 =	vpop (erf)  }
0x9f: {  	_ =	sdelay $0x1  }
0xa0: {  	v3 =	vsub.f32 v3, v0;
	_ =	sdelay $0x1  }
0xa1: {  	v1 =	vld.idx.msk [tilespmem:v1+s14+$0x0], $0xffff;
	v5 =	vsub.f32 v5, v0;
	v3 =	vmul.f32 $1.442695020e+00, v3;
	_ =	sdelay $0x1  }
0xa2: {  	v5 =	vmul.f32 $1.442695020e+00, v5;
	(erf) = vpow2.f32 v3  }
0xa3: {  	(erf) = vrcp.f32 v2  }
0xa4: {  	(erf) = vpow2.f32 v5  }
0xa5: {  	(erf) = vrcp.f32 v1;
	_ =	sdelay $0x1  }
0xa6: {  	v54 =	vpop (erf)  }
0xa7: {  	v55 =	vpop (erf)  }
0xa8: {  	v56 =	vpop (erf)  }
0xa9: {  	v57 =	vpop (erf)  }
0xaa: {  	v4 =	vmul.f32 v6, v4;
	v58 =	vpop (erf)  }
0xab: {  	v1 =	vmul.f32 v55, v54;
	v59 =	vpop (erf)  }
0xac: {  	s31 =	sadd.s32 $0x20, s23;
	[tilespmem:s23+$0xFFFFFFF0] =	vst v4;
	v3 =	vmul.f32 v57, v56;
	v60 =	vpop (erf)  }
0xad: {  	[tilespmem:s31+$0x0] =	vst v1;
	v61 =	vmul.f32 v59, v58;
	v62 =	vpop (erf)  }
0xae: {  	s23 =	sadd.s32 $0x20, s31;
	[tilespmem:s31+$0xFFFFFFF0] =	vst v3;
	v2 =	vmul.f32 v62, v60  }
0xaf: {  	[tilespmem:s23+$0x0] =	vst v61  }
0xb0: {  	[tilespmem:s23+$0xFFFFFFF0] =	vst v2  }
0xb1: {  	v1 =	vld [tilespmem:$0x4E80];
	_ =	sdelay $0x2  }
0xb2: {  	v2 =	vld [tilespmem:$0x2700];
	_ =	sdelay $0x4  }
0xb3: {  	v63 =	vsub.f32 v2, v0;
	v1 =	vld.idx.msk [tilespmem:v1+s14+$0x0], $0xffff;
	_ =	sdelay $0x1  }
0xb4: {  	v0 =	vmul.f32 $1.442695020e+00, v63;
	_ =	sdelay $0x1  }
0xb5: {  	(erf) = vpow2.f32 v0  }
0xb6: {  	(erf) = vrcp.f32 v1;
	_ =	sdelay $0x7  }
0xb7: {  	v0 =	vpop (erf)  }
0xb8: {  	v1 =	vpop (erf)  }
0xb9: {  	s22 =	sadd.s32 $0x1, s22;
	v0 =	vmul.f32 v1, v0  }
0xba: {  	p1 =	sne.s32 s22, s11  }
.Ltmp2:
0xbb: {  	[tilespmem:$0x11400] =	vst v0;
	(pc) =	sbr.rel @p1 .LBB2_1-.Ltmp2, $4  }
0xbc: {  	[hbm4b:s10+s12] =	stream.strided.scatter [tilespmem:s21], [sflag:$0x1], $0x2780, s19, s12, $0x38;
	[tilespmem:$0x11500] =	vst v63  }
0xbd: {  	_ =	swait.ge [sflag:s15], $0x2780  }
0xbe: {  	[sflag:s15] =	ssyncset.done $0x0  }
0xbf: {  	[sflag:s15] =	ssyncadd.s32 $0xFFFFD880  }
0xc0: {  	_ =	sfence.sel $0x180000  }
0xc1: {  	[bflag:$0x0] =	sbarrier.arrive $0xFFFF  }
0xc2: {  	p0 =	sne.s32 s1, $0x0;
	_ =	strace $0x9000004D  }
0xc3: {  	s0 =	sadd.s32 @!p0 $0x100000, s0;
	[bflag:$0x2] =	sbarrier.arrive $0xFFFF  }
0xc4: {  	[sflag:s0] =	ssyncadd.tile.s32 @!p0 $0x1;
	_ =	shalt  }
.Lfunc_end2:
_tile_overlayer_lowered:
.L_overlay_start_2:
0xc5: {  	(tag) =	ssettag $0x2  }
0xc6: {  	s0 =	rddreg [dreg:$0x0];
	s2 =	stileid.u32  }
0xc7: {  	s1 =	rddreg [dreg:$0x1];
	p0 =	sne.s32 s2, $0x0  }
0xc8: {  	s3 =	rddreg [dreg:$0x2];
	[bflag:$0x3] =	sbarrier.arrive $0xFFFF;
	s2 =	simm.s32 @!p0 $0x1C01  }
0xc9: {  	[timem:s3], [sflag:s2] =	dma.local @!p0 [hbm:s0], s1  }
0xca: {  	s0 =	simm.s32 @!p0 $0x1  }
0xcb: {  	_ =	swait.ge @!p0 [sflag:s0], s1  }
0xcc: {  	s1 =	ssub.s32 @!p0 $0x0, s1;
	[sflag:s0] =	ssyncset.done @!p0 $0x0  }
0xcd: {  	[sflag:s0] =	ssyncadd.s32 @!p0 s1  }
0xce: {  	[bflag:$0x3] =	sbarrier.arrive $0xFFFF  }
0xcf: {  	_ =	shalt  }

// kernel: kernel.6.cloned.1.call-start
scs
__scs_entry_jumppad:
0x0: {  	(pc) =	sbr.rel $0x88, $3  }
0x1: {  	(tag) =	ssettag $0x0;
	lr =	simm.s32 $0x1  }
0x2: {  	[smem:$0x3F97] =	sst lr;
	_ =	strace $0xD0000000  }
0x3: {  	_ = 	snop  }
0x4: {  	_ = 	snop  }
0x5: {  	_ = 	snop  }
0x6: {  	_ = 	snop  }
0x7: {  	_ = 	snop  }
__scs_overlays_trampoline_lowered:
0x8: {  	[smem:$0x3FA6] =	sst s0  }
0x9: {  	[smem:$0x3FA7] =	sst s1  }
0xa: {  	[smem:$0x3FA8] =	sst s2  }
0xb: {  	[smem:$0x3FA9] =	sst s3  }
0xc: {  	[smem:$0x3FAA] =	sst s4  }
0xd: {  	[smem:$0x3FAB] =	sst s5  }
0xe: {  	[smem:$0x3FAC] =	sst s6  }
0xf: {  	[smem:$0x3FAD] =	sst s7  }
0x10: {  	[smem:$0x3FAE] =	sst s8  }
0x11: {  	[smem:$0x3FAF] =	sst s9;
	s0 =	simm.s32 @!p0 $0x0  }
0x12: {  	s1 =	sld [smem:$0x3F95];
	s0 =	simm.s32 @p0 $0x1  }
0x13: {  	[smem:$0x3FB0] =	sst s0;
	s0 =	simm.s32 @!p1 $0x0  }
0x14: {  	s2 =	sld [smem:$0x3F94];
	s0 =	simm.s32 @p1 $0x1  }
0x15: {  	[smem:$0x3FB1] =	sst s0;
	s0 =	simm.s32 @!p2 $0x0  }
0x16: {  	s3 =	sld [smem:$0x3FDB];
	s0 =	simm.s32 @p2 $0x1  }
0x17: {  	s4 =	simm.s32 $0x1BF5;
	[smem:$0x3FB3] =	sst s0  }
0x18: {  	s0 =	sld [smem:$0x3F96];
	_ =	swait.ge [sflag:s4], $0x0  }
0x19: {  	s7 =	sld [smem:$0x3F97]  }
0x1a: {  	s8 =	sadd.s32 $0xFFFFE003, lr  }
0x1b: {  	s9 =	sadd.s32 $0xFFFFFEF7, lr;
	s5 =	simm.s32 $0xFFFFFFFF;
	p2 =	slt.u32 s8, $0xFFFFF086  }
0x1c: {  	p1 =	slt.u32 s9, $0xF7A;
	s5 =	simm.s32 @!p2 $0x0  }
0x1d: {  	s5 =	simm.s32 @p1 $0x1;
	p0 =	seq.s32 s7, s2  }
0x1e: {  	s7 =	smul.u32 @!p0 $0xF7A, s2;
	p2 =	seq.s32 @!p0 s5, $0x0  }
0x1f: {  	s9 =	smul.u32 $0xF7A, s1;
	s8 =	simm.s32 @!p0 $0x1BF5;
	p2 =	por !p2, p0  }
0x20: {  	[sflag:s8] =	ssyncset.s32 @!p0 $0xFFFFF086;
	s6 =	sadd.s32 @!p0 s3, s7;
	s7 =	simm.s32 @!p0 $0x108  }
0x21: {  	s3 =	sadd.s32 s3, s9;
	s6 =	sadd.s32 @!p0 $0x88, s6;
	s7 =	simm.s32 @p2 $0x1082  }
0x22: {  	[simem:s7], [sflag:s8] =	dma.local @!p0 [hbm:s6], $0xF7A  }
0x23: {  	s9 =	sor.u32 $0xD0000000, s2;
	s6 =	simm.s32 $0x108;
	_ =	swait.ge @!p0 [sflag:s8], $0x0  }
0x24: {  	s3 =	sadd.s32 $0x88, s3;
	s6 =	simm.s32 @!p1 $0x1082;
	[sflag:s4] =	ssyncset.s32 $0xFFFFF086  }
0x25: {  	[simem:s6], [sflag:s4] =	dma.local [hbm:s3], $0xF7A  }
0x26: {  	[smem:$0x3F97] =	sst s1;
	(tag) =	ssettag s2;
	_ =	strace s9  }
0x27: {  	s1 =	sld [smem:$0x3FA7]  }
0x28: {  	s2 =	sld [smem:$0x3FA8]  }
0x29: {  	s4 =	sld [smem:$0x3FAA]  }
0x2a: {  	p0 =	seq.s32 s5, $0x0;
	s5 =	sld [smem:$0x3FAB]  }
0x2b: {  	s6 =	sld [smem:$0x3FAC]  }
0x2c: {  	s7 =	sld [smem:$0x3FAD]  }
0x2d: {  	s3 =	simm.s32 $0x108;
	s8 =	sld [smem:$0x3FAE]  }
0x2e: {  	s3 =	simm.s32 @!p0 $0x1082;
	s9 =	sld [smem:$0x3FAF]  }
0x2f: {  	lr =	sadd.s32 s0, s3;
	s0 =	sld [smem:$0x3FA6]  }
0x30: {  	s3 =	sld [smem:$0x3FA9]  }
0x31: {  	[smem:$0x3FB2] =	sst s10  }
0x32: {  	s10 =	sld [smem:$0x3FB0];
	_ =	sdelay $0x3  }
0x33: {  	p0 =	seq.s32 s10, $0x1;
	s10 =	sld [smem:$0x3FB2];
	_ =	sdelay $0x3  }
0x34: {  	[smem:$0x3FB2] =	sst s10  }
0x35: {  	s10 =	sld [smem:$0x3FB1];
	_ =	sdelay $0x3  }
0x36: {  	p1 =	seq.s32 s10, $0x1;
	s10 =	sld [smem:$0x3FB2];
	_ =	sdelay $0x3  }
0x37: {  	[smem:$0x3FB2] =	sst s10  }
0x38: {  	s10 =	sld [smem:$0x3FB3]  }
0x39: {  	_ = 	snop;
	(pc) =	sbr.ind lr, $3  }
0x3a: {  	_ = 	snop  }
0x3b: {  	_ = 	snop  }
0x3c: {  	p2 =	seq.s32 s10, $0x1;
	s10 =	sld [smem:$0x3FB2]  }
0x3d: {  	_ =	shalt  }
0x3e: {  	_ =	shalt  }
0x3f: {  	_ =	shalt  }
0x40: {  	_ =	shalt  }
0x41: {  	_ =	shalt  }
0x42: {  	_ =	shalt  }
0x43: {  	_ =	shalt  }
0x44: {  	_ =	shalt  }
0x45: {  	_ =	shalt  }
0x46: {  	_ =	shalt  }
0x47: {  	_ =	shalt  }
0x48: {  	_ =	shalt  }
0x49: {  	_ =	shalt  }
0x4a: {  	_ =	shalt  }
0x4b: {  	_ =	shalt  }
0x4c: {  	_ =	shalt  }
0x4d: {  	_ =	shalt  }
0x4e: {  	_ =	shalt  }
0x4f: {  	_ =	shalt  }
0x50: {  	_ =	shalt  }
0x51: {  	_ =	shalt  }
0x52: {  	_ =	shalt  }
0x53: {  	_ =	shalt  }
0x54: {  	_ =	shalt  }
0x55: {  	_ =	shalt  }
0x56: {  	_ =	shalt  }
0x57: {  	_ =	shalt  }
0x58: {  	_ =	shalt  }
0x59: {  	_ =	shalt  }
0x5a: {  	_ =	shalt  }
0x5b: {  	_ =	shalt  }
0x5c: {  	_ =	shalt  }
0x5d: {  	_ =	shalt  }
0x5e: {  	_ =	shalt  }
0x5f: {  	_ =	shalt  }
0x60: {  	_ =	shalt  }
0x61: {  	_ =	shalt  }
0x62: {  	_ =	shalt  }
0x63: {  	_ =	shalt  }
0x64: {  	_ =	shalt  }
0x65: {  	_ =	shalt  }
0x66: {  	_ =	shalt  }
0x67: {  	_ =	shalt  }
0x68: {  	_ =	shalt  }
0x69: {  	_ =	shalt  }
0x6a: {  	_ =	shalt  }
0x6b: {  	_ =	shalt  }
0x6c: {  	_ =	shalt  }
0x6d: {  	_ =	shalt  }
0x6e: {  	_ =	shalt  }
0x6f: {  	_ =	shalt  }
0x70: {  	_ =	shalt  }
0x71: {  	_ =	shalt  }
0x72: {  	_ =	shalt  }
0x73: {  	_ =	shalt  }
0x74: {  	_ =	shalt  }
0x75: {  	_ =	shalt  }
0x76: {  	_ =	shalt  }
0x77: {  	_ =	shalt  }
0x78: {  	_ =	shalt  }
0x79: {  	_ =	shalt  }
0x7a: {  	_ =	shalt  }
0x7b: {  	_ =	shalt  }
0x7c: {  	_ =	shalt  }
0x7d: {  	_ =	shalt  }
0x7e: {  	_ =	shalt  }
0x7f: {  	_ =	shalt  }
0x80: {  	_ =	shalt  }
0x81: {  	_ =	shalt  }
0x82: {  	_ =	shalt  }
0x83: {  	_ =	shalt  }
0x84: {  	_ =	shalt  }
0x85: {  	_ =	shalt  }
0x86: {  	_ =	shalt  }
0x87: {  	_ =	shalt  }
.Lfunc_end0:
.L_simem_size_0:
called_computation_lowered:
.L_overlay_start_0:
0x88: {  	s2 =	sld [smem:$0x3FD9]  }
0x89: {  	s3 =	sld [smem:$0x3FFE];
	_ =	sdelay $0x1  }
0x8a: {  	s1 =	srdreg.scid  }
0x8b: {  	s0 =	sand.u32 $0x1, s1  }
0x8c: {  	s17 =	sshll.u32 s0, $0xA;
	s2 =	sadd.s32 s3, s2  }
0x8d: {  	s2 =	sadd.s32 s2, s17  }
0x8e: {  	[smem:$0x3FBE] =	sst s2  }
0x8f: {  	_ = 	snop  }
0x90: {  	s2 =	sld [smem:$0x3FD0];
	(tm) =	ssettm $0x1  }
0x91: {  	s18 =	sld [smem:$0x3FFB];
	_ =	sdelay $0x3  }
0x92: {  	_ =	strace s18  }
0x93: {  	s3 =	sld [smem:$0x3FFC];
	_ =	sdelay $0x3  }
0x94: {  	_ =	strace s3  }
0x95: {  	s3 =	sld [smem:$0x3FFD];
	_ =	sdelay $0x3  }
0x96: {  	_ =	strace s3  }
0x97: {  	_ =	strace $0x8FFFFFFF  }
0x98: {  	s19 =	sld [smem:$0x3FDB];
	_ =	sdelay $0x1  }
0x99: {  	s4 =	simm.s32 $_scs_section_size  }
0x9a: {  	s5 =	simm.s32 $_size__tile_overlayer_lowered;
	s6 =	simm.s32 $_tile_overlayer_lowered  }
0x9b: {  	s22 =	simm.s32 $0x1BFF;
	s21 =	sshll.u32 s6, $0x1;
	s3 =	sadd.s32 s4, s19  }
0x9c: {  	s7 =	simm.s32 $0x0;
	s20 =	sshll.u32 s5, $0x1;
	s5 =	sadd.s32 s21, s3  }
0x9d: {  	[timem:s7], [sflag:s22] =	dma.local [hbm:s5], s20  }
0x9e: {  	_ =	swait.ge [sflag:s22], s20  }
0x9f: {  	s4 =	ssub.s32 $0x0, s20;
	[sflag:s22] =	ssyncset.done $0x0  }
0xa0: {  	[sflag:s22] =	ssyncadd.s32 s4;
	_ =	sdelay $0x1  }
0xa1: {  	s23 =	simm.s32 $0x1B8B  }
0xa2: {  	_ =	swait.ge [sflag:s23], $0x1  }
0xa3: {  	[sflag:s23] =	ssyncset.done $0x0  }
0xa4: {  	s25 =	simm.s32 $0x1B8E;
	s24 =	sld [smem:$0x3FFE];
	[sflag:s23] =	ssyncadd.s32 $0xFFFFFFFF  }
0xa5: {  	s26 =	simm.s32 $execute0_lowered;
	[smem:$0x3FD2] =	sst s25  }
0xa6: {  	s5 =	sshll.u32 s26, $0x1;
	_ =	strace $0x80000046;
	[dreg:$0x1] =	wrdreg $0xFFFFFFFF  }
0xa7: {  	s28 =	simm.s32 $_size_execute0_lowered;
	s3 =	sadd.s32 s3, s5;
	[dreg:$0x0] =	wrdreg $0x0  }
0xa8: {  	s5 =	sshll.u32 s28, $0x1;
	[dreg:$0x2] =	wrdreg s3  }
0xa9: {  	[dreg:$0x3] =	wrdreg s5  }
0xaa: {  	[dreg:$0x4] =	wrdreg $0xC0  }
0xab: {  	_ =	task [dreg:s7], $0x5FFFF  }
0xac: {  	[dreg:$0x1] =	wrdreg $0xFFFFFFFF  }
0xad: {  	[dreg:$0x0] =	wrdreg $0x60  }
0xae: {  	[dreg:$0x2] =	wrdreg s24  }
0xaf: {  	[dreg:$0x3] =	wrdreg s2  }
0xb0: {  	[dreg:$0x4] =	wrdreg $0x9  }
0xb1: {  	_ =	task.clear_ibuf [dreg:s7], $0x5FFFF;
	_ =	strace $0x90000046  }
0xb2: {  	s29 =	simm.s32 $0x9;
	_ =	strace $0x80000048  }
0xb3: {  	_ =	swait.ge [sflag:s29], $0x1  }
0xb4: {  	[sflag:s29] =	ssyncadd.s32 $0xFFFFFFFF  }
0xb5: {  	_ =	strace $0x90000048  }
0xb6: {  	_ =	sfence  }
0xb7: {  	s30 =	sld [smem:$0x0];
	_ =	sdelay $0x2  }
0xb8: {  	s31 =	sshll.u32 s1, $0xD;
	s1 =	sshrl.u32 s1, $0x2  }
0xb9: {  	s3 =	sand.u32 $0x4000, s31;
	s1 =	sadd.s32 s1, s30  }
0xba: {  	s0 =	sor.u32 s3, s0;
	s1 =	sshll.u32 s1, $0x11  }
0xbb: {  	s0 =	sor.u32 s1, s0  }
0xbc: {  	s0 =	sadd.s32 $0x8F2B, s0  }
0xbd: {  	[sflag:s0] =	ssyncadd.remote.s32 $0x1  }
0xbe: {  	_ =	sfence.sel $0xFFFF  }
0xbf: {  	[dreg:$0x0] =	wrdreg $0xFFFFFFFF;
	(pc) =	sbr.abs _section_cstart, $3  }
0xc0: {  	[dreg:$0x1] =	wrdreg $0xFFFFFFFF  }
0xc1: {  	_ =	task.clear_ibuf [dreg:s7], $0x2FFFF;
	_ =	strace $0x9FFFFFFF  }
0xc2: {  	(tm) =	ssettm $0x7FFFFFFF  }
0xc3: {  	_ =	shalt  }
tec
execute0_lowered:
.L_overlay_start_1:
0x0: {  	(tag) =	ssettag $0x1  }
0x1: {  	s0 =	rddreg [dreg:$0x0]  }
0x2: {  	s1 =	srdreg.scid;
	s2 =	stileid.u32  }
0x3: {  	s3 =	rddreg [dreg:$0x1];
	s1 =	sand.u32 $0x1, s1;
	s4 =	sshll.u32 s2, $0x1  }
0x4: {  	s2 =	simm.s32 $0x0;
	s6 =	sadd.s32 $0x17400, s0;
	s4 =	sor.u32 s1, s4  }
0x5: {  	s23 =	sadd.s32 $0x16400, s0;
	[smem:$0x7FF] =	sst s2;
	s5 =	smul.u32 $0x2800, s4  }
0x6: {  	_ =	strace $0x80000047;
	[dreg:$0x3] =	wrdreg s6;
	s31 =	smul.u32 $0x14000, s4  }
0x7: {  	[dreg:$0x4] =	wrdreg s23;
	s5 =	sshrl.u32 s5, $0x3  }
0x8: {  	[dreg:$0xa] =	wrdreg s31;
	s24 =	sadd.s32 s5, s0;
	s0 =	sadd.s32 $0x22400, s0  }
0x9: {  	s26 =	sadd.s32 s3, s5;
	[dreg:$0x5] =	wrdreg s0  }
0xa: {  	s1 =	ssub.s32 $0x2, s1;
	[dreg:$0x6] =	wrdreg s26;
	s28 =	sadd.s32 $0x18400, s24  }
0xb: {  	s25 =	sshrl.u32 s1, $0x1;
	s29 =	sadd.s32 $0x2400, s24;
	[dreg:$0x7] =	wrdreg s28  }
0xc: {  	s0 =	ssub.s32 s1, s25;
	s30 =	sadd.s32 $0xC400, s24;
	[dreg:$0x8] =	wrdreg s29  }
0xd: {  	[dreg:$0x9] =	wrdreg s30;
	s0 =	smax.u32 s0, $0x1  }
0xe: {  	s13 =	simm.s32 $0x7580;
	s1 =	simm.s32 $0x0;
	[dreg:$0xb] =	wrdreg s0  }
.LBB2_1:
0xf: {  	[dreg:$0xc] =	wrdreg s1  }
0x10: {  	s0 =	rddreg [dreg:$0x3];
	s22 =	simm.s32 $0x1  }
0x11: {  	[tilespmem:s2], [sflag:$0x1] =	stream.linear.gather [hbm4b:s0+s2], $0x7580, $0x38;
	[tilespmem:$0x1CB00] =	vst v63  }
0x12: {  	_ =	swait.ge [sflag:s22], $0x7580  }
0x13: {  	[sflag:s22] =	ssyncset.done $0x0  }
0x14: {  	s23 =	rddreg [dreg:$0x4];
	[sflag:s22] =	ssyncadd.s32 $0xFFFF8A80  }
0x15: {  	[tilespmem:s13], [sflag:$0x1] =	stream.linear.gather [hbm4b:s23+s2], $0x7580, $0x38;
	[tilespmem:$0x1CB00] =	vst v63  }
0x16: {  	_ =	swait.ge [sflag:s22], $0x7580  }
0x17: {  	[sflag:s22] =	ssyncset.done $0x0  }
0x18: {  	s3 =	simm.s32 $0xEB00;
	s24 =	rddreg [dreg:$0x6];
	[sflag:s22] =	ssyncadd.s32 $0xFFFF8A80  }
0x19: {  	[tilespmem:s3], [sflag:$0x1] =	stream.linear.gather [hbm4b:s24+s2], $0x2800, $0x38;
	[tilespmem:$0x1CB00] =	vst v63  }
0x1a: {  	_ =	swait.ge [sflag:s22], $0x2800  }
0x1b: {  	[sflag:s22] =	ssyncset.done $0x0  }
0x1c: {  	s26 =	simm.s32 $0x11300;
	s25 =	rddreg [dreg:$0x7];
	[sflag:s22] =	ssyncadd.s32 $0xFFFFD800  }
0x1d: {  	[tilespmem:s26], [sflag:$0x1] =	stream.linear.gather [hbm4b:s25+s2], $0x2800, $0x38;
	[tilespmem:$0x1CB00] =	vst v63  }
0x1e: {  	_ =	swait.ge [sflag:s22], $0x2800  }
0x1f: {  	[sflag:s22] =	ssyncset.done $0x0  }
0x20: {  	s29 =	simm.s32 $0x13B00;
	s28 =	rddreg [dreg:$0x8];
	[sflag:s22] =	ssyncadd.s32 $0xFFFFD800  }
0x21: {  	[tilespmem:s29], [sflag:$0x1] =	stream.linear.gather [hbm4b:s28+s2], $0x2800, $0x38;
	[tilespmem:$0x1CB00] =	vst v63  }
0x22: {  	_ =	swait.ge [sflag:s22], $0x2800  }
0x23: {  	[sflag:s22] =	ssyncset.done $0x0  }
0x24: {  	s31 =	simm.s32 $0x16300;
	s30 =	rddreg [dreg:$0x9];
	[sflag:s22] =	ssyncadd.s32 $0xFFFFD800  }
0x25: {  	[tilespmem:s31], [sflag:$0x1] =	stream.linear.gather [hbm4b:s30+s2], $0x2800, $0x38;
	[tilespmem:$0x1CB00] =	vst v63  }
0x26: {  	_ =	swait.ge [sflag:s22], $0x2800  }
0x27: {  	[sflag:s22] =	ssyncset.done $0x0  }
0x28: {  	s4 =	simm.s32 $0x0;
	s6 =	simm.s32 $0x0;
	[sflag:s22] =	ssyncadd.s32 $0xFFFFD800  }
.LBB2_2:
0x29: {  	[dreg:$0xe] =	wrdreg s6;
	s22 =	sshra.s32 s4, $0x2  }
0x2a: {  	v0 =	vld [tilespmem:s22+$0xEB10];
	_ =	sdelay $0x4  }
0x2b: {  	v0 =	vmul.u32 $0x3, v0  }
0x2c: {  	v1 =	vld [tilespmem:s22+$0x11310];
	_ =	sdelay $0x4  }
0x2d: {  	v1 =	vmul.u32 $0x3, v1;
	v2 =	vld.idx.msk [tilespmem:v0+s2+$0x0], $0xffff  }
0x2e: {  	s0 =	simm.s32 $0x0  }
0x2f: {  	s1 =	simm.s32 $0x10;
	v3 =	vld [tilespmem:s22+$0xEB00];
	s3 =	sand.u32 $0x3C00, s0  }
0x30: {  	s24 =	sadd.s32 $0x80, s4;
	s1 =	sand.u32 $0x70, s1;
	s3 =	sadd.s32 $0x18B00, s3  }
0x31: {  	s23 =	sshra.s32 s24, $0x2;
	s1 =	sor.u32 s1, s3;
	[dreg:$0xd] =	wrdreg s4  }
0x32: {  	v4 =	vld [tilespmem:s23+$0xEB10];
	[tilespmem:s1+$0x0] =	vst v2  }
0x33: {  	v2 =	vld.idx.msk [tilespmem:v1+s13+$0x0], $0xffff  }
0x34: {  	v3 =	vmul.u32 $0x3, v3;
	v5 =	vadd.s32 $0x1, v0  }
0x35: {  	v6 =	vld [tilespmem:s22+$0x11300];
	_ =	sdelay $0x1  }
0x36: {  	v7 =	vld [tilespmem:s23+$0xEB00]  }
0x37: {  	v4 =	vmul.u32 $0x3, v4;
	[tilespmem:s1+$0x180] =	vst v2;
	v2 =	vld [tilespmem:s23+$0x11310]  }
0x38: {  	v5 =	vld.idx.msk [tilespmem:v5+s2+$0x0], $0xffff  }
0x39: {  	v9 =	vadd.s32 $0x1, v1;
	v8 =	vld.idx.msk [tilespmem:v3+s2+$0x0], $0xffff;
	v6 =	vmul.u32 $0x3, v6  }
0x3a: {  	s4 =	sadd.s32 $0x80, s24  }
0x3b: {  	s5 =	simm.s32 $0x0;
	v10 =	vld [tilespmem:s23+$0x11300];
	s24 =	sshra.s32 s4, $0x2  }
0x3c: {  	s5 =	sand.u32 $0x60, s5;
	v13 =	vld [tilespmem:s24+$0xEB10];
	v7 =	vmul.u32 $0x3, v7  }
0x3d: {  	s25 =	simm.s32 $0x100;
	s9 =	simm.s32 $0x200;
	s6 =	sor.u32 s5, s3;
	v11 =	vld.idx.msk [tilespmem:v4+s2+$0x0], $0xffff;
	v2 =	vmul.u32 $0x3, v2;
	[tilespmem:s1+$0x80] =	vst v5  }
0x3e: {  	s26 =	simm.s32 $0x30;
	s10 =	sand.u32 $0x3C00, s9;
	s9 =	sadd.s32 $0x80, s4;
	[tilespmem:s6+$0x0] =	vst v8;
	v5 =	vld.idx.msk [tilespmem:v9+s13+$0x0], $0xffff  }
0x3f: {  	s3 =	sand.u32 $0x3C00, s25;
	s5 =	sand.u32 $0x70, s26;
	v0 =	vadd.s32 $0x2, v0;
	s26 =	sshra.s32 s9, $0x2;
	v8 =	vld.idx.msk [tilespmem:v6+s13+$0x0], $0xffff  }
0x40: {  	s7 =	sadd.s32 $0x18B00, s3;
	v17 =	vld [tilespmem:s26+$0xEB00];
	v9 =	vadd.s32 $0x1, v3  }
0x41: {  	s3 =	sor.u32 s5, s7;
	v21 =	vld [tilespmem:s26+$0x11310]  }
0x42: {  	v10 =	vmul.u32 $0x3, v10;
	v12 =	vld.idx.msk [tilespmem:v7+s2+$0x0], $0xffff;
	[tilespmem:s3+$0x0] =	vst v11  }
0x43: {  	v11 =	vld.idx.msk [tilespmem:v2+s13+$0x0], $0xffff;
	[tilespmem:s1+$0x200] =	vst v5  }
0x44: {  	s8 =	simm.s32 $0x20;
	[tilespmem:s6+$0x180] =	vst v8;
	v5 =	vadd.s32 $0x1, v4;
	v0 =	vld.idx.msk [tilespmem:v0+s2+$0x0], $0xffff  }
0x45: {  	s5 =	sand.u32 $0x60, s8;
	v1 =	vadd.s32 $0x2, v1;
	v8 =	vld.idx.msk [tilespmem:v9+s2+$0x0], $0xffff  }
0x46: {  	s25 =	sor.u32 s5, s7;
	v9 =	vld [tilespmem:s24+$0xEB00]  }
0x47: {  	v18 =	vmul.u32 $0x3, v13;
	v13 =	vld [tilespmem:s24+$0x11310];
	[tilespmem:s25+$0x0] =	vst v12;
	v12 =	vadd.s32 $0x1, v6  }
0x48: {  	v14 =	vld.idx.msk [tilespmem:v10+s13+$0x0], $0xffff;
	[tilespmem:s3+$0x180] =	vst v11  }
0x49: {  	v11 =	vadd.s32 $0x1, v7;
	v5 =	vld.idx.msk [tilespmem:v5+s2+$0x0], $0xffff;
	[tilespmem:s1+$0x100] =	vst v0  }
0x4a: {  	v15 =	vadd.s32 $0x1, v2;
	v1 =	vld.idx.msk [tilespmem:v1+s13+$0x0], $0xffff  }
0x4b: {  	[tilespmem:s6+$0x80] =	vst v8;
	v8 =	vld [tilespmem:s24+$0x11300];
	v16 =	vmul.u32 $0x3, v9  }
0x4c: {  	v9 =	vld.idx.msk [tilespmem:v12+s13+$0x0], $0xffff  }
0x4d: {  	v3 =	vadd.s32 $0x2, v3;
	[tilespmem:s25+$0x180] =	vst v14;
	v12 =	vld.idx.msk [tilespmem:v18+s2+$0x0], $0xffff  }
0x4e: {  	v0 =	vmul.u32 $0x3, v13;
	v11 =	vld.idx.msk [tilespmem:v11+s2+$0x0], $0xffff;
	[tilespmem:s3+$0x80] =	vst v5  }
0x4f: {  	s11 =	simm.s32 $0x50;
	v5 =	vld.idx.msk [tilespmem:v15+s13+$0x0], $0xffff;
	[tilespmem:s1+$0x280] =	vst v1  }
0x50: {  	s4 =	sand.u32 $0x70, s11;
	v1 =	vadd.s32 $0x2, v4;
	s1 =	sadd.s32 $0x18B00, s10;
	v4 =	vld [tilespmem:s22+$0x13B10]  }
0x51: {  	s12 =	sand.u32 $0x7, s0;
	v8 =	vmul.u32 $0x3, v8;
	[tilespmem:s6+$0x200] =	vst v9;
	v9 =	vld.idx.msk [tilespmem:v16+s2+$0x0], $0xffff;
	s28 =	sor.u32 s4, s1  }
0x52: {  	s14 =	sshll.u32 s12, $0x4;
	v3 =	vld.idx.msk [tilespmem:v3+s2+$0x0], $0xffff;
	[tilespmem:s28+$0x0] =	vst v12  }
0x53: {  	s15 =	simm.s32 $0x40;
	s5 =	sadd.s32 $0x10, s14;
	v6 =	vadd.s32 $0x2, v6;
	v13 =	vld [tilespmem:s26+$0xEB10];
	[tilespmem:s25+$0x80] =	vst v11  }
0x54: {  	s16 =	sand.u32 $0x60, s15;
	s4 =	sor.u32 $0x300, s5;
	v12 =	vld.idx.msk [tilespmem:v0+s13+$0x0], $0xffff;
	[tilespmem:s3+$0x200] =	vst v5  }
0x55: {  	s29 =	sor.u32 s16, s1;
	v14 =	vld.idx.msk [tilespmem:v1+s2+$0x0], $0xffff;
	[tilespmem:s4+$0x18B00] =	vst v4;
	v4 =	vadd.s32 $0x1, v18  }
0x56: {  	v2 =	vadd.s32 $0x2, v2;
	[tilespmem:s29+$0x0] =	vst v9;
	v9 =	vld [tilespmem:s26+$0x11300]  }
0x57: {  	v5 =	vadd.s32 $0x1, v10;
	v11 =	vld.idx.msk [tilespmem:v8+s13+$0x0], $0xffff;
	[tilespmem:s6+$0x100] =	vst v3  }
0x58: {  	s0 =	sand.u32 $0x3, s0;
	v19 =	vadd.s32 $0x1, v16;
	v1 =	vmul.u32 $0x3, v13;
	v22 =	vld.idx.msk [tilespmem:v6+s13+$0x0], $0xffff  }
0x59: {  	s17 =	simm.s32 $0x1;
	s15 =	simm.s32 $0x300;
	s0 =	sshll.u32 s0, $0x5;
	v20 =	vmul.u32 $0x3, v17;
	v15 =	vld [tilespmem:s22+$0x16310];
	[tilespmem:s28+$0x180] =	vst v12  }
0x5a: {  	s18 =	simm.s32 $0x2;
	s21 =	sand.u32 $0x3C00, s15;
	s0 =	sadd.s32 $0x0, s0;
	[tilespmem:s3+$0x100] =	vst v14;
	v4 =	vld.idx.msk [tilespmem:v4+s2+$0x0], $0xffff  }
0x5b: {  	s30 =	sor.u32 $0x380, s0;
	s11 =	sadd.s32 $0x80, s9;
	s9 =	simm.s32 $0x70;
	v13 =	vadd.s32 $0x1, v0;
	v14 =	vld.idx.msk [tilespmem:v2+s13+$0x0], $0xffff  }
0x5c: {  	s7 =	simm.s32 $0x6;
	s10 =	sand.u32 $0x70, s9;
	s1 =	sand.u32 $0x3, s17;
	v5 =	vld.idx.msk [tilespmem:v5+s13+$0x0], $0xffff;
	[tilespmem:s29+$0x180] =	vst v11  }
0x5d: {  	v23 =	vadd.s32 $0x2, v7;
	s16 =	sor.u32 $0x300, s0;
	s5 =	sor.u32 $0x380, s5;
	s1 =	sshll.u32 s1, $0x5;
	v12 =	vld.idx.msk [tilespmem:v19+s2+$0x0], $0xffff  }
0x5e: {  	s17 =	simm.s32 $0x110;
	s19 =	sadd.s32 $0x100, s1;
	s4 =	sand.u32 $0x3, s18;
	v17 =	vld.idx.msk [tilespmem:v1+s2+$0x0], $0xffff;
	[tilespmem:s5+$0x18B00] =	vst v15  }
0x5f: {  	s1 =	sor.u32 $0x300, s19;
	s31 =	sor.u32 $0x380, s19;
	s20 =	sshll.u32 s4, $0x5;
	v11 =	vmul.u32 $0x3, v21;
	[tilespmem:s28+$0x80] =	vst v4;
	v4 =	vadd.s32 $0x2, v16;
	v16 =	vld.idx.msk [tilespmem:v20+s2+$0x0], $0xffff  }
0x60: {  	v7 =	vadd.s32 $0x1, v8;
	v3 =	vadd.s32 $0x2, v8;
	s18 =	sadd.s32 $0x18B00, s21;
	s4 =	simm.s32 $0x3;
	s0 =	sadd.s32 $0x200, s20;
	v9 =	vmul.u32 $0x3, v9;
	[tilespmem:s3+$0x280] =	vst v14;
	v13 =	vld.idx.msk [tilespmem:v13+s13+$0x0], $0xffff  }
0x61: {  	v8 =	vadd.s32 $0x1, v20;
	v6 =	vadd.s32 $0x2, v20;
	v18 =	vadd.s32 $0x2, v18;
	s8 =	sand.u32 $0x3, s4;
	s14 =	sor.u32 $0x300, s0;
	[tilespmem:s25+$0x200] =	vst v5;
	s3 =	simm.s32 $0x2;
	v15 =	vld [tilespmem:s23+$0x13B10]  }
0x62: {  	s0 =	sor.u32 $0x380, s0;
	s8 =	sshll.u32 s8, $0x5;
	v2 =	vadd.s32 $0x2, v10;
	v10 =	vadd.s32 $0x1, v9;
	[tilespmem:s6+$0x280] =	vst v22;
	v5 =	vadd.s32 $0x2, v9;
	v14 =	vld.idx.msk [tilespmem:v23+s2+$0x0], $0xffff;
	s19 =	sand.u32 $0x7, s3  }
.LBB2_3:
0x63: {  	s6 =	sshra.s32 s11, $0x2;
	s5 =	sor.u32 s10, s18;
	[tilespmem:s29+$0x80] =	vst v12;
	s10 =	sshll.u32 s19, $0x4;
	v12 =	vld [tilespmem:s22+$0x13B00]  }
0x64: {  	s8 =	sadd.s32 s8, s15;
	s19 =	sadd.s32 $0xFFFFFFF0, s9;
	v19 =	vld [tilespmem:s6+$0xEB10];
	[tilespmem:s5+$0x0] =	vst v17;
	s10 =	sadd.s32 s10, s17  }
0x65: {  	s19 =	sand.u32 $0x60, s19;
	s12 =	sor.u32 $0x300, s8;
	v17 =	vld.idx.msk [tilespmem:v11+s13+$0x0], $0xffff;
	[tilespmem:s28+$0x200] =	vst v13;
	s20 =	sor.u32 $0x300, s10  }
0x66: {  	s8 =	sor.u32 $0x380, s8;
	s21 =	sor.u32 s19, s18;
	s18 =	smov.u32 s28;
	v13 =	vld.idx.msk [tilespmem:v18+s2+$0x0], $0xffff;
	[tilespmem:s20+$0x18B00] =	vst v15  }
0x67: {  	s7 =	sadd.s32 $0x2, s7;
	s28 =	smov.u32 s5;
	s19 =	smov.u32 s25;
	v15 =	vadd.s32 $0x1, v1;
	[tilespmem:s21+$0x0] =	vst v16;
	v16 =	vld [tilespmem:s23+$0x16310]  }
0x68: {  	p0 =	slt.u32 s7, $0x7E;
	s25 =	smov.u32 s29;
	s29 =	smov.u32 s21;
	v18 =	vld [tilespmem:s6+$0xEB00];
	[tilespmem:s19+$0x100] =	vst v14  }
0x69: {  	v20 =	vadd.s32 $0x2, v0;
	v0 =	vmov v11;
	v14 =	vld [tilespmem:s6+$0x11300];
	[tilespmem:s16+$0x18B00] =	vst v12;
	s16 =	smov.u32 s1;
	s1 =	smov.u32 s14;
	s14 =	smov.u32 s12  }
0x6a: {  	s5 =	smov.u32 s30;
	s30 =	smov.u32 s31;
	s31 =	smov.u32 s0;
	v11 =	vld.idx.msk [tilespmem:v9+s13+$0x0], $0xffff  }
0x6b: {  	s10 =	sor.u32 $0x380, s10;
	s0 =	smov.u32 s8;
	[tilespmem:s28+$0x180] =	vst v17;
	v17 =	vld.idx.msk [tilespmem:v7+s13+$0x0], $0xffff;
	v7 =	vmov v10  }
0x6c: {  	v19 =	vmul.u32 $0x3, v19;
	v15 =	vld.idx.msk [tilespmem:v15+s2+$0x0], $0xffff;
	[tilespmem:s10+$0x18B00] =	vst v16  }
0x6d: {  	v16 =	vmul.u32 $0x3, v18;
	v18 =	vld [tilespmem:s6+$0x11310];
	[tilespmem:s18+$0x100] =	vst v13  }
0x6e: {  	v13 =	vadd.s32 $0x1, v0;
	v9 =	vmul.u32 $0x3, v14;
	v14 =	vld.idx.msk [tilespmem:v20+s13+$0x0], $0xffff  }
0x6f: {  	v20 =	vadd.s32 $0x1, v16;
	v21 =	vadd.s32 $0x2, v16;
	v22 =	vld.idx.msk [tilespmem:v2+s13+$0x0], $0xffff;
	v2 =	vmovc v3;
	v3 =	vmov v5  }
0x70: {  	v10 =	vadd.s32 $0x1, v9;
	v5 =	vadd.s32 $0x2, v9;
	[tilespmem:s29+$0x180] =	vst v11;
	v23 =	vld [tilespmem:s22+$0x16300];
	s22 =	smov.u32 s23;
	s23 =	smov.u32 s24;
	s24 =	smov.u32 s26  }
0x71: {  	s4 =	sadd.s32 $0x1, s4;
	s26 =	smov.u32 s6;
	v12 =	vld.idx.msk [tilespmem:v8+s2+$0x0], $0xffff;
	[tilespmem:s25+$0x200] =	vst v17;
	v8 =	vmov v20  }
.Ltmp0:
0x72: {  	s6 =	sand.u32 $0x3, s4;
	v17 =	vld.idx.msk [tilespmem:v19+s2+$0x0], $0xffff;
	[tilespmem:s28+$0x80] =	vst v15;
	(pc) =	sbr.rel @p0 .LBB2_3-.Ltmp0, $4  }
0x73: {  	s8 =	sshll.u32 s6, $0x5;
	v11 =	vmul.u32 $0x3, v18;
	v13 =	vld.idx.msk [tilespmem:v13+s13+$0x0], $0xffff  }
0x74: {  	s15 =	sadd.s32 $0x100, s15;
	s3 =	sadd.s32 $0x2, s3;
	s17 =	sadd.s32 $0x100, s17;
	v16 =	vld.idx.msk [tilespmem:v16+s2+$0x0], $0xffff;
	[tilespmem:s18+$0x280] =	vst v14  }
0x75: {  	s11 =	sadd.s32 $0x80, s11;
	s9 =	sadd.s32 $0x20, s9;
	s6 =	sand.u32 $0x3C00, s15;
	v18 =	vadd.s32 $0x2, v1;
	v1 =	vmov v19;
	v15 =	vld [tilespmem:s23+$0x13B10];
	[tilespmem:s19+$0x280] =	vst v22  }
0x76: {  	s10 =	sand.u32 $0x70, s9;
	s18 =	sadd.s32 $0x18B00, s6;
	s19 =	sand.u32 $0x7, s3;
	v14 =	vld.idx.msk [tilespmem:v4+s2+$0x0], $0xffff;
	[tilespmem:s5+$0x18B00] =	vst v23;
	v4 =	vmov v6;
	v6 =	vmov v21  }
0x77: {  	_ =	sdelay $0x1  }
0x78: {  	s4 =	sor.u32 s10, s18;
	s5 =	sadd.s32 $0xFFFFFFF0, s9  }
0x79: {  	[tilespmem:s4+$0x0] =	vst v17;
	s5 =	sand.u32 $0x60, s5  }
0x7a: {  	v17 =	vld.idx.msk [tilespmem:v11+s13+$0x0], $0xffff;
	s5 =	sor.u32 s5, s18  }
0x7b: {  	v49 =	vadd.s32 $0x1, v1;
	[tilespmem:s5+$0x0] =	vst v16  }
0x7c: {  	v9 =	vld.idx.msk [tilespmem:v9+s13+$0x0], $0xffff;
	_ =	sdelay $0x2  }
0x7d: {  	[tilespmem:s4+$0x180] =	vst v17  }
0x7e: {  	v16 =	vld.idx.msk [tilespmem:v49+s2+$0x0], $0xffff  }
0x7f: {  	v50 =	vadd.s32 $0x1, v11;
	[tilespmem:s5+$0x180] =	vst v9  }
0x80: {  	v8 =	vld.idx.msk [tilespmem:v8+s2+$0x0], $0xffff;
	_ =	sdelay $0x2  }
0x81: {  	[tilespmem:s4+$0x80] =	vst v16  }
0x82: {  	[tilespmem:s29+$0x80] =	vst v12;
	v51 =	vld.idx.msk [tilespmem:v50+s13+$0x0], $0xffff  }
0x83: {  	v52 =	vadd.s32 $0x2, v1;
	v7 =	vld.idx.msk [tilespmem:v7+s13+$0x0], $0xffff;
	[tilespmem:s5+$0x80] =	vst v8  }
0x84: {  	v8 =	vld.idx.msk [tilespmem:v10+s13+$0x0], $0xffff;
	_ =	sdelay $0x1  }
0x85: {  	[tilespmem:s28+$0x200] =	vst v13  }
0x86: {  	s6 =	sshll.u32 s19, $0x4;
	v53 =	vld.idx.msk [tilespmem:v18+s2+$0x0], $0xffff;
	[tilespmem:s4+$0x200] =	vst v51  }
0x87: {  	v0 =	vadd.s32 $0x2, v0;
	s6 =	sadd.s32 s6, s17;
	[tilespmem:s29+$0x200] =	vst v7;
	v1 =	vld.idx.msk [tilespmem:v52+s2+$0x0], $0xffff  }
0x88: {  	v54 =	vadd.s32 $0x2, v11;
	s7 =	sor.u32 $0x300, s6;
	v4 =	vld.idx.msk [tilespmem:v4+s2+$0x0], $0xffff;
	[tilespmem:s5+$0x200] =	vst v8  }
0x89: {  	[tilespmem:s7+$0x18B00] =	vst v15;
	v6 =	vld.idx.msk [tilespmem:v6+s2+$0x0], $0xffff  }
0x8a: {  	v55 =	vld [tilespmem:s22+$0x13B00];
	[tilespmem:s25+$0x100] =	vst v14  }
0x8b: {  	v2 =	vld.idx.msk [tilespmem:v2+s13+$0x0], $0xffff;
	[tilespmem:s28+$0x100] =	vst v53  }
0x8c: {  	v0 =	vld.idx.msk [tilespmem:v0+s13+$0x0], $0xffff;
	[tilespmem:s4+$0x100] =	vst v1  }
0x8d: {  	[tilespmem:s29+$0x100] =	vst v4;
	v1 =	vld.idx.msk [tilespmem:v54+s13+$0x0], $0xffff  }
0x8e: {  	v3 =	vld.idx.msk [tilespmem:v3+s13+$0x0], $0xffff;
	[tilespmem:s5+$0x100] =	vst v6  }
0x8f: {  	[tilespmem:s16+$0x18B00] =	vst v55;
	v56 =	vld.idx.msk [tilespmem:v5+s13+$0x0], $0xffff  }
0x90: {  	v57 =	vld [tilespmem:s23+$0x16310];
	[tilespmem:s25+$0x280] =	vst v2  }
0x91: {  	s3 =	sadd.s32 $0x2, s3;
	v59 =	vld [tilespmem:s23+$0x13B00];
	[tilespmem:s28+$0x280] =	vst v0  }
0x92: {  	s12 =	sand.u32 $0x7, s3;
	s3 =	sadd.s32 $0x2, s3;
	v58 =	vld [tilespmem:s24+$0x13B10];
	[tilespmem:s4+$0x280] =	vst v1  }
0x93: {  	s3 =	sand.u32 $0x7, s3;
	[tilespmem:s29+$0x280] =	vst v3;
	v60 =	vld [tilespmem:s26+$0x13B10]  }
0x94: {  	s16 =	sadd.s32 $0x100, s17;
	s17 =	sor.u32 $0x380, s6;
	v61 =	vld [tilespmem:s24+$0x13B00];
	s4 =	sshll.u32 s12, $0x4;
	[tilespmem:s5+$0x280] =	vst v56  }
0x95: {  	s3 =	sshll.u32 s3, $0x4;
	s19 =	sadd.s32 $0x100, s16;
	[tilespmem:s17+$0x18B00] =	vst v57;
	s4 =	sadd.s32 s4, s16;
	v62 =	vld [tilespmem:s26+$0x13B00]  }
0x96: {  	v63 =	vld [tilespmem:s22+$0x16300];
	s3 =	sadd.s32 s3, s19;
	[tilespmem:s1+$0x18B00] =	vst v59;
	s18 =	sor.u32 $0x300, s4  }
0x97: {  	s20 =	sor.u32 $0x300, s3;
	v1 =	vld [tilespmem:s23+$0x16300];
	[tilespmem:s18+$0x18B00] =	vst v58  }
0x98: {  	s21 =	sadd.s32 s8, s15;
	v2 =	vld [tilespmem:s24+$0x16310];
	[tilespmem:s20+$0x18B00] =	vst v60  }
0x99: {  	s22 =	sor.u32 $0x300, s21;
	[tilespmem:s14+$0x18B00] =	vst v61;
	v3 =	vld [tilespmem:s26+$0x16310]  }
0x9a: {  	v4 =	vld [tilespmem:s24+$0x16300];
	[tilespmem:s22+$0x18B00] =	vst v62  }
0x9b: {  	[tilespmem:s30+$0x18B00] =	vst v63;
	v0 =	vld [tilespmem:s26+$0x16300]  }
0x9c: {  	s23 =	sor.u32 $0x380, s4;
	[tilespmem:s31+$0x18B00] =	vst v1  }
0x9d: {  	s24 =	sor.u32 $0x380, s3;
	[tilespmem:s23+$0x18B00] =	vst v2  }
0x9e: {  	s25 =	rddreg [dreg:$0xe];
	[tilespmem:s24+$0x18B00] =	vst v3  }
0x9f: {  	s28 =	sor.u32 $0x380, s21;
	s26 =	sshll.u32 s25, $0xE;
	s1 =	rddreg [dreg:$0xa];
	[tilespmem:s0+$0x18B00] =	vst v4  }
0xa0: {  	s30 =	simm.s32 $0x1;
	s6 =	sadd.s32 $0x1, s25;
	s1 =	sadd.s32 s1, s26;
	[tilespmem:s28+$0x18B00] =	vst v0  }
0xa1: {  	p0 =	sne.s32 s6, $0x5;
	s1 =	sshrl.u32 s1, $0x3;
	s0 =	rddreg [dreg:$0x5]  }
.Ltmp1:
0xa2: {  	s29 =	simm.s32 $0x18B00;
	s0 =	sadd.s32 s0, s1;
	(pc) =	sbr.rel @p0 .LBB2_2-.Ltmp1, $4  }
0xa3: {  	[hbm4b:s0+s2] =	stream.linear.scatter [tilespmem:s29], [sflag:$0x1], $0x4000, $0x38;
	[tilespmem:$0x1CB00] =	vst v63  }
0xa4: {  	_ =	swait.ge [sflag:s30], $0x4000  }
0xa5: {  	[sflag:s30] =	ssyncset.done $0x0;
	s31 =	rddreg [dreg:$0xd]  }
0xa6: {  	[sflag:s30] =	ssyncadd.s32 $0xFFFFC000;
	s4 =	sadd.s32 $0x2000, s31  }
0xa7: {  	s1 =	rddreg [dreg:$0xc]  }
0xa8: {  	s0 =	rddreg [dreg:$0xb];
	s1 =	sadd.s32 $0x1, s1  }
0xa9: {  	p0 =	sne.s32 s1, s0  }
.Ltmp2:
0xaa: {  	_ = 	snop;
	(pc) =	sbr.rel @p0 .LBB2_1-.Ltmp2, $1  }
0xab: {  	_ =	sdelay $0x3  }
0xac: {  	_ =	sfence.sel $0x180000  }
0xad: {  	[bflag:$0x0] =	sbarrier.arrive $0xFFFF  }
0xae: {  	_ =	strace $0x90000047  }
0xaf: {  	s0 =	stileid.u32;
	[bflag:$0x2] =	sbarrier.arrive $0xFFFF  }
0xb0: {  	p0 =	sne.s32 s0, $0x0;
	s0 =	rddreg [dreg:$0x2]  }
0xb1: {  	s0 =	sadd.s32 @!p0 $0x100000, s0  }
0xb2: {  	[sflag:s0] =	ssyncadd.tile.s32 @!p0 $0x1;
	_ =	shalt  }
.Lfunc_end2:
_tile_overlayer_lowered:
.L_overlay_start_2:
0xb3: {  	(tag) =	ssettag $0x2  }
0xb4: {  	s0 =	rddreg [dreg:$0x0];
	s2 =	stileid.u32  }
0xb5: {  	s1 =	rddreg [dreg:$0x1];
	p0 =	sne.s32 s2, $0x0  }
0xb6: {  	s3 =	rddreg [dreg:$0x2];
	[bflag:$0x3] =	sbarrier.arrive $0xFFFF;
	s2 =	simm.s32 @!p0 $0x1C01  }
0xb7: {  	[timem:s3], [sflag:s2] =	dma.local @!p0 [hbm:s0], s1  }
0xb8: {  	s0 =	simm.s32 @!p0 $0x1  }
0xb9: {  	_ =	swait.ge @!p0 [sflag:s0], s1  }
0xba: {  	s1 =	ssub.s32 @!p0 $0x0, s1;
	[sflag:s0] =	ssyncset.done @!p0 $0x0  }
0xbb: {  	[sflag:s0] =	ssyncadd.s32 @!p0 s1  }
0xbc: {  	[bflag:$0x3] =	sbarrier.arrive $0xFFFF  }
0xbd: {  	_ =	shalt  }

// kernel: kernel.9.cloned.1.call-start
scs
__scs_entry_jumppad:
0x0: {  	(pc) =	sbr.rel $0x88, $3  }
0x1: {  	(tag) =	ssettag $0x0;
	lr =	simm.s32 $0x1  }
0x2: {  	[smem:$0x3F97] =	sst lr;
	_ =	strace $0xD0000000  }
0x3: {  	_ = 	snop  }
0x4: {  	_ = 	snop  }
0x5: {  	_ = 	snop  }
0x6: {  	_ = 	snop  }
0x7: {  	_ = 	snop  }
__scs_overlays_trampoline_lowered:
0x8: {  	[smem:$0x3FA6] =	sst s0  }
0x9: {  	[smem:$0x3FA7] =	sst s1  }
0xa: {  	[smem:$0x3FA8] =	sst s2  }
0xb: {  	[smem:$0x3FA9] =	sst s3  }
0xc: {  	[smem:$0x3FAA] =	sst s4  }
0xd: {  	[smem:$0x3FAB] =	sst s5  }
0xe: {  	[smem:$0x3FAC] =	sst s6  }
0xf: {  	[smem:$0x3FAD] =	sst s7  }
0x10: {  	[smem:$0x3FAE] =	sst s8  }
0x11: {  	[smem:$0x3FAF] =	sst s9;
	s0 =	simm.s32 @!p0 $0x0  }
0x12: {  	s1 =	sld [smem:$0x3F95];
	s0 =	simm.s32 @p0 $0x1  }
0x13: {  	[smem:$0x3FB0] =	sst s0;
	s0 =	simm.s32 @!p1 $0x0  }
0x14: {  	s2 =	sld [smem:$0x3F94];
	s0 =	simm.s32 @p1 $0x1  }
0x15: {  	[smem:$0x3FB1] =	sst s0;
	s0 =	simm.s32 @!p2 $0x0  }
0x16: {  	s3 =	sld [smem:$0x3FDB];
	s0 =	simm.s32 @p2 $0x1  }
0x17: {  	s4 =	simm.s32 $0x1BF5;
	[smem:$0x3FB3] =	sst s0  }
0x18: {  	s0 =	sld [smem:$0x3F96];
	_ =	swait.ge [sflag:s4], $0x0  }
0x19: {  	s7 =	sld [smem:$0x3F97]  }
0x1a: {  	s8 =	sadd.s32 $0xFFFFE003, lr  }
0x1b: {  	s9 =	sadd.s32 $0xFFFFFEF7, lr;
	s5 =	simm.s32 $0xFFFFFFFF;
	p2 =	slt.u32 s8, $0xFFFFF086  }
0x1c: {  	p1 =	slt.u32 s9, $0xF7A;
	s5 =	simm.s32 @!p2 $0x0  }
0x1d: {  	s5 =	simm.s32 @p1 $0x1;
	p0 =	seq.s32 s7, s2  }
0x1e: {  	s7 =	smul.u32 @!p0 $0xF7A, s2;
	p2 =	seq.s32 @!p0 s5, $0x0  }
0x1f: {  	s9 =	smul.u32 $0xF7A, s1;
	s8 =	simm.s32 @!p0 $0x1BF5;
	p2 =	por !p2, p0  }
0x20: {  	[sflag:s8] =	ssyncset.s32 @!p0 $0xFFFFF086;
	s6 =	sadd.s32 @!p0 s3, s7;
	s7 =	simm.s32 @!p0 $0x108  }
0x21: {  	s3 =	sadd.s32 s3, s9;
	s6 =	sadd.s32 @!p0 $0x88, s6;
	s7 =	simm.s32 @p2 $0x1082  }
0x22: {  	[simem:s7], [sflag:s8] =	dma.local @!p0 [hbm:s6], $0xF7A  }
0x23: {  	s9 =	sor.u32 $0xD0000000, s2;
	s6 =	simm.s32 $0x108;
	_ =	swait.ge @!p0 [sflag:s8], $0x0  }
0x24: {  	s3 =	sadd.s32 $0x88, s3;
	s6 =	simm.s32 @!p1 $0x1082;
	[sflag:s4] =	ssyncset.s32 $0xFFFFF086  }
0x25: {  	[simem:s6], [sflag:s4] =	dma.local [hbm:s3], $0xF7A  }
0x26: {  	[smem:$0x3F97] =	sst s1;
	(tag) =	ssettag s2;
	_ =	strace s9  }
0x27: {  	s1 =	sld [smem:$0x3FA7]  }
0x28: {  	s2 =	sld [smem:$0x3FA8]  }
0x29: {  	s4 =	sld [smem:$0x3FAA]  }
0x2a: {  	p0 =	seq.s32 s5, $0x0;
	s5 =	sld [smem:$0x3FAB]  }
0x2b: {  	s6 =	sld [smem:$0x3FAC]  }
0x2c: {  	s7 =	sld [smem:$0x3FAD]  }
0x2d: {  	s3 =	simm.s32 $0x108;
	s8 =	sld [smem:$0x3FAE]  }
0x2e: {  	s3 =	simm.s32 @!p0 $0x1082;
	s9 =	sld [smem:$0x3FAF]  }
0x2f: {  	lr =	sadd.s32 s0, s3;
	s0 =	sld [smem:$0x3FA6]  }
0x30: {  	s3 =	sld [smem:$0x3FA9]  }
0x31: {  	[smem:$0x3FB2] =	sst s10  }
0x32: {  	s10 =	sld [smem:$0x3FB0];
	_ =	sdelay $0x3  }
0x33: {  	p0 =	seq.s32 s10, $0x1;
	s10 =	sld [smem:$0x3FB2];
	_ =	sdelay $0x3  }
0x34: {  	[smem:$0x3FB2] =	sst s10  }
0x35: {  	s10 =	sld [smem:$0x3FB1];
	_ =	sdelay $0x3  }
0x36: {  	p1 =	seq.s32 s10, $0x1;
	s10 =	sld [smem:$0x3FB2];
	_ =	sdelay $0x3  }
0x37: {  	[smem:$0x3FB2] =	sst s10  }
0x38: {  	s10 =	sld [smem:$0x3FB3]  }
0x39: {  	_ = 	snop;
	(pc) =	sbr.ind lr, $3  }
0x3a: {  	_ = 	snop  }
0x3b: {  	_ = 	snop  }
0x3c: {  	p2 =	seq.s32 s10, $0x1;
	s10 =	sld [smem:$0x3FB2]  }
0x3d: {  	_ =	shalt  }
0x3e: {  	_ =	shalt  }
0x3f: {  	_ =	shalt  }
0x40: {  	_ =	shalt  }
0x41: {  	_ =	shalt  }
0x42: {  	_ =	shalt  }
0x43: {  	_ =	shalt  }
0x44: {  	_ =	shalt  }
0x45: {  	_ =	shalt  }
0x46: {  	_ =	shalt  }
0x47: {  	_ =	shalt  }
0x48: {  	_ =	shalt  }
0x49: {  	_ =	shalt  }
0x4a: {  	_ =	shalt  }
0x4b: {  	_ =	shalt  }
0x4c: {  	_ =	shalt  }
0x4d: {  	_ =	shalt  }
0x4e: {  	_ =	shalt  }
0x4f: {  	_ =	shalt  }
0x50: {  	_ =	shalt  }
0x51: {  	_ =	shalt  }
0x52: {  	_ =	shalt  }
0x53: {  	_ =	shalt  }
0x54: {  	_ =	shalt  }
0x55: {  	_ =	shalt  }
0x56: {  	_ =	shalt  }
0x57: {  	_ =	shalt  }
0x58: {  	_ =	shalt  }
0x59: {  	_ =	shalt  }
0x5a: {  	_ =	shalt  }
0x5b: {  	_ =	shalt  }
0x5c: {  	_ =	shalt  }
0x5d: {  	_ =	shalt  }
0x5e: {  	_ =	shalt  }
0x5f: {  	_ =	shalt  }
0x60: {  	_ =	shalt  }
0x61: {  	_ =	shalt  }
0x62: {  	_ =	shalt  }
0x63: {  	_ =	shalt  }
0x64: {  	_ =	shalt  }
0x65: {  	_ =	shalt  }
0x66: {  	_ =	shalt  }
0x67: {  	_ =	shalt  }
0x68: {  	_ =	shalt  }
0x69: {  	_ =	shalt  }
0x6a: {  	_ =	shalt  }
0x6b: {  	_ =	shalt  }
0x6c: {  	_ =	shalt  }
0x6d: {  	_ =	shalt  }
0x6e: {  	_ =	shalt  }
0x6f: {  	_ =	shalt  }
0x70: {  	_ =	shalt  }
0x71: {  	_ =	shalt  }
0x72: {  	_ =	shalt  }
0x73: {  	_ =	shalt  }
0x74: {  	_ =	shalt  }
0x75: {  	_ =	shalt  }
0x76: {  	_ =	shalt  }
0x77: {  	_ =	shalt  }
0x78: {  	_ =	shalt  }
0x79: {  	_ =	shalt  }
0x7a: {  	_ =	shalt  }
0x7b: {  	_ =	shalt  }
0x7c: {  	_ =	shalt  }
0x7d: {  	_ =	shalt  }
0x7e: {  	_ =	shalt  }
0x7f: {  	_ =	shalt  }
0x80: {  	_ =	shalt  }
0x81: {  	_ =	shalt  }
0x82: {  	_ =	shalt  }
0x83: {  	_ =	shalt  }
0x84: {  	_ =	shalt  }
0x85: {  	_ =	shalt  }
0x86: {  	_ =	shalt  }
0x87: {  	_ =	shalt  }
.Lfunc_end0:
.L_simem_size_0:
called_computation.1_lowered:
.L_overlay_start_0:
0x88: {  	s2 =	sld [smem:$0x3FD9]  }
0x89: {  	s3 =	sld [smem:$0x3FFE];
	_ =	sdelay $0x1  }
0x8a: {  	s1 =	srdreg.scid  }
0x8b: {  	s0 =	sand.u32 $0x1, s1  }
0x8c: {  	s17 =	sshll.u32 s0, $0xA;
	s2 =	sadd.s32 s3, s2  }
0x8d: {  	s2 =	sadd.s32 s2, s17  }
0x8e: {  	[smem:$0x3FBE] =	sst s2  }
0x8f: {  	_ = 	snop  }
0x90: {  	s2 =	sld [smem:$0x3FD0];
	(tm) =	ssettm $0x1  }
0x91: {  	s18 =	sld [smem:$0x3FFB];
	_ =	sdelay $0x3  }
0x92: {  	_ =	strace s18  }
0x93: {  	s3 =	sld [smem:$0x3FFC];
	_ =	sdelay $0x3  }
0x94: {  	_ =	strace s3  }
0x95: {  	s3 =	sld [smem:$0x3FFD];
	_ =	sdelay $0x3  }
0x96: {  	_ =	strace s3  }
0x97: {  	_ =	strace $0x8FFFFFFF  }
0x98: {  	s19 =	sld [smem:$0x3FDB];
	_ =	sdelay $0x1  }
0x99: {  	s4 =	simm.s32 $_scs_section_size  }
0x9a: {  	s5 =	simm.s32 $_size__tile_overlayer_lowered;
	s6 =	simm.s32 $_tile_overlayer_lowered  }
0x9b: {  	s22 =	simm.s32 $0x1BFF;
	s21 =	sshll.u32 s6, $0x1;
	s3 =	sadd.s32 s4, s19  }
0x9c: {  	s7 =	simm.s32 $0x0;
	s20 =	sshll.u32 s5, $0x1;
	s5 =	sadd.s32 s21, s3  }
0x9d: {  	[timem:s7], [sflag:s22] =	dma.local [hbm:s5], s20  }
0x9e: {  	_ =	swait.ge [sflag:s22], s20  }
0x9f: {  	s4 =	ssub.s32 $0x0, s20;
	[sflag:s22] =	ssyncset.done $0x0  }
0xa0: {  	[sflag:s22] =	ssyncadd.s32 s4;
	_ =	sdelay $0x1  }
0xa1: {  	s23 =	simm.s32 $0x1B8B  }
0xa2: {  	_ =	swait.ge [sflag:s23], $0x1  }
0xa3: {  	[sflag:s23] =	ssyncset.done $0x0  }
0xa4: {  	s25 =	simm.s32 $0x1B8E;
	s24 =	sld [smem:$0x3FFE];
	[sflag:s23] =	ssyncadd.s32 $0xFFFFFFFF  }
0xa5: {  	s26 =	simm.s32 $execute0_lowered;
	[smem:$0x3FD2] =	sst s25  }
0xa6: {  	s5 =	sshll.u32 s26, $0x1;
	_ =	strace $0x80000049;
	[dreg:$0x1] =	wrdreg $0xFFFFFFFF  }
0xa7: {  	s28 =	simm.s32 $_size_execute0_lowered;
	s3 =	sadd.s32 s3, s5;
	[dreg:$0x0] =	wrdreg $0x0  }
0xa8: {  	s5 =	sshll.u32 s28, $0x1;
	[dreg:$0x2] =	wrdreg s3  }
0xa9: {  	[dreg:$0x3] =	wrdreg s5  }
0xaa: {  	[dreg:$0x4] =	wrdreg $0xC0  }
0xab: {  	_ =	task [dreg:s7], $0x5FFFF  }
0xac: {  	[dreg:$0x1] =	wrdreg $0xFFFFFFFF  }
0xad: {  	[dreg:$0x0] =	wrdreg $0x60  }
0xae: {  	[dreg:$0x2] =	wrdreg s2  }
0xaf: {  	[dreg:$0x3] =	wrdreg s24  }
0xb0: {  	[dreg:$0x4] =	wrdreg $0xB7000  }
0xb1: {  	[dreg:$0x5] =	wrdreg $0x9  }
0xb2: {  	_ =	task.clear_ibuf [dreg:s7], $0x6FFFF;
	_ =	strace $0x90000049  }
0xb3: {  	s29 =	simm.s32 $0x9;
	_ =	strace $0x8000004B  }
0xb4: {  	_ =	swait.ge [sflag:s29], $0x1  }
0xb5: {  	[sflag:s29] =	ssyncadd.s32 $0xFFFFFFFF  }
0xb6: {  	_ =	strace $0x9000004B  }
0xb7: {  	_ =	sfence  }
0xb8: {  	s30 =	sld [smem:$0x0];
	_ =	sdelay $0x2  }
0xb9: {  	s31 =	sshll.u32 s1, $0xD;
	s1 =	sshrl.u32 s1, $0x2  }
0xba: {  	s3 =	sand.u32 $0x4000, s31;
	s1 =	sadd.s32 s1, s30  }
0xbb: {  	s0 =	sor.u32 s3, s0;
	s1 =	sshll.u32 s1, $0x11  }
0xbc: {  	s0 =	sor.u32 s1, s0  }
0xbd: {  	s0 =	sadd.s32 $0x8F2B, s0  }
0xbe: {  	[sflag:s0] =	ssyncadd.remote.s32 $0x1  }
0xbf: {  	_ =	sfence.sel $0xFFFF  }
0xc0: {  	[dreg:$0x0] =	wrdreg $0xFFFFFFFF;
	(pc) =	sbr.abs _section_cstart, $3  }
0xc1: {  	[dreg:$0x1] =	wrdreg $0xFFFFFFFF  }
0xc2: {  	_ =	task.clear_ibuf [dreg:s7], $0x2FFFF;
	_ =	strace $0x9FFFFFFF  }
0xc3: {  	(tm) =	ssettm $0x7FFFFFFF  }
tec
execute0_lowered:
.L_overlay_start_1:
0x0: {  	(tag) =	ssettag $0x1  }
0x1: {  	s4 =	rddreg [dreg:$0x0]  }
0x2: {  	s5 =	rddreg [dreg:$0x1]  }
0x3: {  	s1 =	rddreg [dreg:$0x2]  }
0x4: {  	s0 =	rddreg [dreg:$0x3];
	s3 =	srdreg.scid  }
0x5: {  	s13 =	stileid.u32;
	s2 =	simm.s32 $0x0;
	s12 =	simm.s32 $0xB680  }
0x6: {  	s14 =	simm.s32 $0x0;
	s6 =	sand.u32 $0x1, s3;
	s29 =	sshll.u32 s13, $0x1  }
0x7: {  	[smem:$0x7FF] =	sst s2;
	s8 =	sshrl.u32 s13, $0x2;
	p0 =	sne.s32 s13, $0x0  }
0x8: {  	s13 =	simm.s32 $0x50;
	s3 =	sor.u32 s6, s29;
	_ =	strace $0x8000004A  }
0x9: {  	s8 =	smul.u32 $0x13C00, s8;
	s10 =	ssub.s32 $0x2, s6;
	s6 =	sshll.u32 s6, $0x4  }
0xa: {  	s7 =	sshll.u32 s3, $0xB;
	s9 =	sshll.u32 s3, $0x7;
	s3 =	sadd.s32 $0x2600, s5  }
0xb: {  	s11 =	sshrl.u32 s10, $0x1;
	s6 =	sadd.s32 s6, s5;
	s7 =	sadd.s32 s7, s5  }
0xc: {  	s9 =	sand.u32 $0x380, s9;
	s30 =	ssub.s32 s10, s11;
	s6 =	sadd.s32 $0x2800, s6  }
0xd: {  	s10 =	simm.s32 $0x1;
	s11 =	simm.s32 $0x2780;
	s8 =	sor.u32 s8, s9  }
0xe: {  	s5 =	sadd.s32 $0x72400, s7;
	s7 =	smax.u32 s30, $0x1;
	s31 =	sshrl.u32 s8, $0x3  }
0xf: {  	v0 =	vimm.f32 $0.0e+00;
	s9 =	simm.s32 $0x400;
	s8 =	simm.s32 $0x80;
	s4 =	sadd.s32 s4, s31  }
.LBB2_1:
0x10: {  	[tilespmem:s2], [sflag:$0x1] =	stream.strided.gather [hbm4b:s4+s8], $0x2780, s9, s8, $0x38;
	[tilespmem:$0xB978] =	vst v63  }
0x11: {  	_ =	swait.ge [sflag:s10], $0x2780  }
0x12: {  	[sflag:s10] =	ssyncset.done $0x0  }
0x13: {  	[sflag:s10] =	ssyncadd.s32 $0xFFFFD880  }
0x14: {  	[tilespmem:s11], [sflag:$0x1] =	stream.linear.gather [hbm4b:s5+s2], $0x3E80, $0x38;
	[tilespmem:$0xB978] =	vst v63  }
0x15: {  	_ =	swait.ge [sflag:s10], $0x3E80  }
0x16: {  	[sflag:s10] =	ssyncset.done $0x0  }
0x17: {  	[sflag:s10] =	ssyncadd.s32 $0xFFFFC180  }
0x18: {  	[tilespmem:s12], [sflag:$0x1] =	stream.linear.gather [hbm4b:s3+s2], $0x80, $0x38;
	[tilespmem:$0xB978] =	vst v63  }
0x19: {  	_ =	swait.ge [sflag:s10], $0x80  }
0x1a: {  	[sflag:s10] =	ssyncset.done $0x0  }
0x1b: {  	s15 =	simm.s32 $0x8F10;
	[sflag:s10] =	ssyncadd.s32 $0xFFFFFF80  }
0x1c: {  	s16 =	simm.s32 $0x0;
	v1 =	vld [tilespmem:$0xB680];
	[tilespmem:s15+$0xFFFFFFF0] =	vst v0  }
.LBB2_2:
0x1d: {  	s16 =	sadd.s32 $0x2, s16  }
0x1e: {  	p1 =	slt.u32 s16, $0x26E  }
.Ltmp0:
0x1f: {  	_ = 	snop;
	(pc) =	sbr.rel @p1 .LBB2_2-.Ltmp0, $3  }
0x20: {  	_ =	sdelay $0x1  }
0x21: {  	[tilespmem:s15+$0x0] =	vst v0;
	s15 =	sadd.s32 $0x20, s15  }
0x22: {  	[tilespmem:s15+$0xFFFFFFF0] =	vst v0  }
0x23: {  	[tilespmem:s15+$0x0] =	vst v0  }
0x24: {  	s15 =	simm.s32 @!p0 $0x8F00;
	[tilespmem:$0xB600] =	vst v0  }
0x25: {  	[spmem:s1] =	stream.linear.scatter @!p0 [tilespmem:s15], [sflag:$0x1], $0x2780, $0x38;
	[tilespmem:$0xB978] =	vst v63  }
0x26: {  	s15 =	simm.s32 @!p0 $0x1  }
0x27: {  	_ =	swait.ge @!p0 [sflag:s15], $0x2780  }
0x28: {  	[sflag:s15] =	ssyncset.done @!p0 $0x0  }
0x29: {  	[sflag:s15] =	ssyncadd.s32 @!p0 $0xFFFFD880  }
0x2a: {  	s29 =	simm.s32 $0x10;
	[bflag:$0x0] =	sbarrier.arrive $0xFFFF  }
0x2b: {  	v2 =	vld [tilespmem:s29+$0xFFFFFFF0];
	_ =	sdelay $0x1  }
0x2c: {  	v3 =	vld [tilespmem:s29+$0x0];
	_ =	sdelay $0x2  }
0x2d: {  	v2 =	vsub.f32 v2, v1;
	_ =	sdelay $0x1  }
0x2e: {  	s30 =	simm.s32 $0x30;
	v3 =	vsub.f32 v3, v1;
	v2 =	vmul.f32 $1.442695020e+00, v2  }
0x2f: {  	v4 =	vld [tilespmem:s30+$0xFFFFFFF0]  }
0x30: {  	v3 =	vmul.f32 $1.442695020e+00, v3;
	(erf) = vpow2.f32 v2;
	v2 =	vld [tilespmem:s30+$0x0];
	_ =	sdelay $0x1  }
0x31: {  	(erf) = vpow2.f32 v3  }
0x32: {  	s31 =	simm.s32 $0x50  }
0x33: {  	v4 =	vsub.f32 v4, v1;
	v3 =	vld [tilespmem:s31+$0xFFFFFFF0]  }
0x34: {  	v2 =	vsub.f32 v2, v1  }
0x35: {  	v5 =	vld [tilespmem:s31+$0x0];
	v4 =	vmul.f32 $1.442695020e+00, v4  }
0x36: {  	v6 =	vmul.f32 $1.442695020e+00, v2  }
0x37: {  	(erf) = vpow2.f32 v4  }
0x38: {  	s16 =	simm.s32 $0x70;
	v7 =	vsub.f32 v3, v1;
	v8 =	vpop (erf);
	(erf) = vpow2.f32 v6  }
0x39: {  	s15 =	simm.s32 $0x6790;
	v3 =	vld [tilespmem:s16+$0x0]  }
0x3a: {  	s17 =	simm.s32 $0x6;
	v5 =	vsub.f32 v5, v1;
	v2 =	vld [tilespmem:s16+$0xFFFFFFF0];
	v4 =	vmul.f32 $1.442695020e+00, v7;
	[tilespmem:s15+$0xFFFFFFF0] =	vst v8;
	v6 =	vpop (erf)  }
.LBB2_4:
0x3b: {  	s17 =	sadd.s32 $0x2, s17  }
0x3c: {  	v5 =	vmul.f32 $1.442695020e+00, v5;
	[tilespmem:s15+$0x0] =	vst v6;
	s15 =	sadd.s32 $0x20, s15;
	p1 =	slt.u32 s17, $0x26E  }
.Ltmp1:
0x3d: {  	(erf) = vpow2.f32 v4;
	(pc) =	sbr.rel @p1 .LBB2_4-.Ltmp1, $4  }
0x3e: {  	(erf) = vpow2.f32 v5  }
0x3f: {  	s16 =	sadd.s32 $0x20, s16;
	v4 =	vsub.f32 v2, v1  }
0x40: {  	v2 =	vld [tilespmem:s16+$0xFFFFFFF0];
	v5 =	vsub.f32 v3, v1;
	v6 =	vpop (erf)  }
0x41: {  	v3 =	vld [tilespmem:s16+$0x0];
	v4 =	vmul.f32 $1.442695020e+00, v4;
	[tilespmem:s15+$0xFFFFFFF0] =	vst v6;
	v6 =	vpop (erf)  }
0x42: {  	_ =	sdelay $0x2  }
0x43: {  	v2 =	vsub.f32 v2, v1  }
0x44: {  	v5 =	vmul.f32 $1.442695020e+00, v5;
	v3 =	vsub.f32 v3, v1  }
0x45: {  	(erf) = vpow2.f32 v4;
	v2 =	vmul.f32 $1.442695020e+00, v2  }
0x46: {  	(erf) = vpow2.f32 v5;
	v3 =	vmul.f32 $1.442695020e+00, v3  }
0x47: {  	(erf) = vpow2.f32 v2  }
0x48: {  	(erf) = vpow2.f32 v3;
	_ =	sdelay $0x3  }
0x49: {  	[tilespmem:s15+$0x0] =	vst v6;
	s31 =	sadd.s32 $0x20, s15;
	v2 =	vpop (erf)  }
0x4a: {  	v3 =	vpop (erf);
	[tilespmem:s31+$0xFFFFFFF0] =	vst v2  }
0x4b: {  	s15 =	sadd.s32 $0x20, s31;
	[tilespmem:s31+$0x0] =	vst v3;
	v2 =	vpop (erf)  }
0x4c: {  	[tilespmem:s15+$0xFFFFFFF0] =	vst v2;
	v2 =	vpop (erf)  }
0x4d: {  	[tilespmem:s15+$0x0] =	vst v2;
	s15 =	sadd.s32 $0x20, s15;
	v2 =	vpop (erf)  }
0x4e: {  	[tilespmem:s15+$0xFFFFFFF0] =	vst v2;
	v2 =	vpop (erf)  }
0x4f: {  	[tilespmem:s15+$0x0] =	vst v2  }
0x50: {  	v2 =	vld [tilespmem:$0x2700];
	_ =	sdelay $0x4  }
0x51: {  	v1 =	vsub.f32 v2, v1;
	_ =	sdelay $0x1  }
0x52: {  	v1 =	vmul.f32 $1.442695020e+00, v1;
	_ =	sdelay $0x1  }
0x53: {  	(erf) = vpow2.f32 v1;
	_ =	sdelay $0x8  }
0x54: {  	v1 =	vpop (erf)  }
0x55: {  	s16 =	simm.s32 $0x6780;
	s15 =	simm.s32 $0x2780;
	[tilespmem:$0x8E80] =	vst v1  }
0x56: {  	[spmem:s1] =	stream.indirect.scatter.add.f32 [tilespmem:s16], [sflag:$0x1], $0x1, s15, s13, $0xb8;
	[tilespmem:$0xB978] =	vst v63  }
0x57: {  	_ =	swait.ge [sflag:s10], $0x50  }
0x58: {  	[sflag:s10] =	ssyncset.done $0x0  }
0x59: {  	s16 =	simm.s32 $0x140;
	[sflag:s10] =	ssyncadd.s32 $0xFFFFFFB0  }
.LBB2_6:
0x5a: {  	s17 =	sshra.s32 s16, $0x2;
	s15 =	sadd.s32 $0x80, s15;
	p1 =	sne.s32 s16, $0x9B00  }
.Ltmp2:
0x5b: {  	s16 =	sadd.s32 $0x140, s16;
	s17 =	sadd.s32 $0x6780, s17;
	(pc) =	sbr.rel @p1 .LBB2_6-.Ltmp2, $4  }
0x5c: {  	[spmem:s1] =	stream.indirect.scatter.add.f32 [tilespmem:s17], [sflag:$0x1], $0x1, s15, s13, $0xb8;
	[tilespmem:$0xB978] =	vst v63  }
0x5d: {  	_ =	swait.ge [sflag:s10], $0x50  }
0x5e: {  	[sflag:s10] =	ssyncset.done $0x0  }
0x5f: {  	[sflag:s10] =	ssyncadd.s32 $0xFFFFFFB0  }
0x60: {  	[bflag:$0x0] =	sbarrier.arrive $0xFFFF;
	s15 =	simm.s32 @!p0 $0x8F00;
	s16 =	simm.s32 @!p0 $0x1  }
0x61: {  	[tilespmem:s15], [sflag:$0x1] =	stream.linear.gather @!p0 [spmem:s1], $0x2780, $0x38;
	[tilespmem:$0xB978] =	vst v63  }
0x62: {  	s14 =	sadd.s32 $0x1, s14;
	_ =	swait.ge @!p0 [sflag:s16], $0x2780  }
0x63: {  	s17 =	simm.s32 @!p0 $0x80;
	p1 =	sne.s32 s14, s7;
	[sflag:s16] =	ssyncset.done @!p0 $0x0  }
.Ltmp3:
0x64: {  	s18 =	simm.s32 @!p0 $0x100;
	[sflag:s16] =	ssyncadd.s32 @!p0 $0xFFFFD880;
	(pc) =	sbr.rel @p1 .LBB2_1-.Ltmp3, $4  }
0x65: {  	[hbm4b:s6+s17] =	stream.strided.scatter @!p0 [tilespmem:s15], [sflag:$0x1], $0x2780, s18, s17, $0x38;
	[tilespmem:$0xB978] =	vst v63  }
0x66: {  	_ =	swait.ge @!p0 [sflag:s16], $0x2780  }
0x67: {  	[sflag:s16] =	ssyncset.done @!p0 $0x0  }
0x68: {  	[sflag:s16] =	ssyncadd.s32 @!p0 $0xFFFFD880  }
0x69: {  	_ =	sfence.sel $0x180000  }
0x6a: {  	[bflag:$0x0] =	sbarrier.arrive $0xFFFF  }
0x6b: {  	_ =	strace $0x9000004A  }
0x6c: {  	s0 =	sadd.s32 @!p0 $0x100000, s0;
	[bflag:$0x2] =	sbarrier.arrive $0xFFFF  }
0x6d: {  	[sflag:s0] =	ssyncadd.tile.s32 @!p0 $0x1;
	_ =	shalt  }
.Lfunc_end2:
_tile_overlayer_lowered:
.L_overlay_start_2:
0x6e: {  	(tag) =	ssettag $0x2  }
0x6f: {  	s0 =	rddreg [dreg:$0x0];
	s2 =	stileid.u32  }
0x70: {  	s1 =	rddreg [dreg:$0x1];
	p0 =	sne.s32 s2, $0x0  }
0x71: {  	s3 =	rddreg [dreg:$0x2];
	[bflag:$0x3] =	sbarrier.arrive $0xFFFF;
	s2 =	simm.s32 @!p0 $0x1C01  }
0x72: {  	[timem:s3], [sflag:s2] =	dma.local @!p0 [hbm:s0], s1  }
0x73: {  	s0 =	simm.s32 @!p0 $0x1  }
0x74: {  	_ =	swait.ge @!p0 [sflag:s0], s1  }
0x75: {  	s1 =	ssub.s32 @!p0 $0x0, s1;
	[sflag:s0] =	ssyncset.done @!p0 $0x0  }
0x76: {  	[sflag:s0] =	ssyncadd.s32 @!p0 s1  }
0x77: {  	[bflag:$0x3] =	sbarrier.arrive $0xFFFF  }
0x78: {  	_ =	shalt  }

</sc_bundles>
